<compile_context>
chip_gen: v7x
topology: tpu7x:2x2x1
jax: 0.10.2.dev20260603
libtpu: 0.0.44.dev20260713+nightly
codegen_flags: <defaults>
</compile_context>

<pallas_src>
import functools

import jax
import jax.numpy as jnp
from jax import lax
from jax.experimental import pallas as pl
from jax.experimental.pallas import tpu as pltpu
import jax.experimental.pallas.tpu_sc as plsc

NC = 2
NS = 16
NW = NC * NS
LANES = 16
GSEG = 1024
A_LEN = 4 * GSEG
TAIL = 128
ROW = A_LEN + TAIL
CHUNK = 400
NCOLS = 11
DEPTH = 2
UNROLL = 1


def _build_sc(n):
    np_w = n // NW
    nch = np_w // CHUNK
    assert np_w * NW == n and nch * CHUNK == np_w and nch % DEPTH == 0

    mesh = plsc.VectorSubcoreMesh(
        core_axis_name="c", subcore_axis_name="s", num_cores=NC,
        num_subcores=NS)

    @functools.partial(
        pl.kernel,
        out_type=jax.ShapeDtypeStruct((NW, ROW), jnp.float32),
        name="physics_loss_sc",
        mesh=mesh,
        compiler_params=pltpu.CompilerParams(needs_layout_passes=False),
        scratch_types=(
            [pltpu.VMEM((CHUNK, NCOLS), jnp.float32) for _ in range(DEPTH)]
            + [pltpu.VMEM((A_LEN,), jnp.float32),
               pltpu.VMEM((TAIL,), jnp.float32)]
            + [pltpu.SemaphoreType.DMA for _ in range(DEPTH)]
        ),
    )
    def sc_kernel(cat_hbm, out_hbm, b0, b1, acc_ref, tail_ref, s0, s1):
        bufs = (b0, b1)
        sems = (s0, s1)
        wid = lax.axis_index("s") * NC + lax.axis_index("c")

        zeros = jnp.zeros((LANES,), jnp.float32)

        def zero_body(k, carry):
            acc_ref[pl.ds(k * LANES, LANES)] = zeros
            return carry

        lax.fori_loop(0, A_LEN // LANES, zero_body, 0)

        cat_r = cat_hbm.reshape(nch * NW, CHUNK, NCOLS)

        def src(k):
            return cat_r.at[wid * nch + k]

        for s in range(DEPTH):
            pltpu.async_copy(src(s), bufs[s], sems[s])

        iota = lax.iota(jnp.int32, LANES)
        col_idx = [jnp.full((LANES,), c, jnp.int32) for c in range(NCOLS)]

        def group_body(buf):
            def one_group(rows, carry):
                accp, accv, accm, gmx = carry
                x = [plsc.load_gather(buf, [rows, col_idx[c]])
                     for c in range(NCOLS)]
                d = x[:6]
                s = x[6:9]
                m = x[9]
                g = x[10].astype(jnp.int32)
                accp = accp + d[0] * d[0] + d[1] * d[1] + d[2] * d[2]
                accv = accv + d[3] * d[3] + d[4] * d[4] + d[5] * d[5]
                accm = accm + m
                gmx = jnp.maximum(gmx, g)
                s4g = 4 * g
                plsc.addupdate_scatter(acc_ref, [s4g], m * d[3])
                plsc.addupdate_scatter(acc_ref, [s4g + 1], m * d[4])
                plsc.addupdate_scatter(acc_ref, [s4g + 2], m * d[5])
                ke = (0.5 * m) * (d[3] * s[0] + d[4] * s[1] + d[5] * s[2])
                plsc.addupdate_scatter(acc_ref, [s4g + 3], ke)
                return (accp, accv, accm, gmx)

            def body(i, carry):
                base = i * (LANES * UNROLL)
                for u in range(UNROLL):
                    carry = one_group(base + u * LANES + iota, carry)
                return carry
            return body

        def outer_body(j, carry):
            for s in range(DEPTH):
                k = DEPTH * j + s
                pltpu.make_async_copy(src(k), bufs[s], sems[s]).wait()
                carry = lax.fori_loop(0, CHUNK // (LANES * UNROLL),
                                      group_body(bufs[s]), carry)

                @pl.when(k + DEPTH < nch)
                def _():
                    pltpu.async_copy(src(k + DEPTH), bufs[s], sems[s])
            return carry

        init = (zeros, zeros, zeros, jnp.full((LANES,), -1, jnp.int32))
        accp, accv, accm, gmx = lax.fori_loop(0, nch // DEPTH, outer_body,
                                              init)

        tail_ref[pl.ds(0, LANES)] = accp
        tail_ref[pl.ds(LANES, LANES)] = accv
        tail_ref[pl.ds(2 * LANES, LANES)] = accm
        tail_ref[pl.ds(3 * LANES, LANES)] = gmx.astype(jnp.float32)
        for k in range(4, TAIL // LANES):
            tail_ref[pl.ds(k * LANES, LANES)] = zeros

        pltpu.sync_copy(acc_ref, out_hbm.at[wid, pl.ds(0, A_LEN)])
        pltpu.sync_copy(tail_ref, out_hbm.at[wid, pl.ds(A_LEN, TAIL)])

    return sc_kernel


def _build_tc(n):
    nf = float(n)

    def tc_body(part_ref, out_ref):
        x = part_ref[...]
        srow = jnp.sum(x, axis=0, keepdims=True)
        mrow = jnp.max(x, axis=0, keepdims=True)
        col = lax.broadcasted_iota(jnp.int32, (1, ROW), 1)
        in_a = col < A_LEN
        c4 = col % 4
        sq = srow * srow
        mom_sq = jnp.sum(jnp.where(in_a & (c4 < 3), sq, 0.0))
        ke_sq = jnp.sum(jnp.where(in_a & (c4 == 3), sq, 0.0))

        def tail_sum(slot, row):
            m = (col >= A_LEN + slot * LANES) & (col < A_LEN + (slot + 1) * LANES)
            return jnp.sum(jnp.where(m, row, 0.0))

        pos_sum = tail_sum(0, srow)
        vel_sum = tail_sum(1, srow)
        mass_sum = tail_sum(2, srow)
        gmax_m = (col >= A_LEN + 3 * LANES) & (col < A_LEN + 4 * LANES)
        gmax = jnp.max(jnp.where(gmax_m, mrow, -1.0))

        n_graphs = gmax + 1.0
        mass_scale = mass_sum / nf
        s_eff = jnp.where(mass_scale > 0.0, mass_scale, 1.0)
        inv2 = 1.0 / (s_eff * s_eff)

        pos_loss = pos_sum / (3.0 * nf)
        vel_loss = vel_sum / (3.0 * nf)
        momentum_loss = mom_sq * inv2 / (n_graphs * 3.0)
        energy_loss = ke_sq * inv2 / n_graphs
        total = (pos_loss + vel_loss + 0.1 * energy_loss
                 + 0.1 * momentum_loss)

        lane = lax.broadcasted_iota(jnp.int32, (1, 128), 1)
        out = jnp.where(lane == 0, total,
              jnp.where(lane == 1, pos_loss,
              jnp.where(lane == 2, vel_loss,
              jnp.where(lane == 3, energy_loss,
              jnp.where(lane == 4, momentum_loss, 0.0)))))
        out_ref[...] = out

    return pl.pallas_call(
        tc_body,
        out_shape=jax.ShapeDtypeStruct((1, 128), jnp.float32),
    )


NPART = 2


@jax.jit
def kernel(pred, target, masses, batch_index):
    n = pred.shape[0]
    n_p = n // NPART
    bidx_bits = batch_index.astype(jnp.float32)
    sc = _build_sc(n_p)
    parts = []
    for p in range(NPART):
        lo, hi = p * n_p, (p + 1) * n_p
        cat = jnp.concatenate(
            [pred[lo:hi] - target[lo:hi],
             pred[lo:hi, 3:6] + target[lo:hi, 3:6],
             masses[lo:hi, None], bidx_bits[lo:hi, None]],
            axis=1)
        parts.append(sc(cat))
    partials = jnp.concatenate(parts, axis=0)
    out = _build_tc(n)(partials)
    return (out[0, 0], out[0, 1], out[0, 2], out[0, 3], out[0, 4])

# --- scband reference (transcript-rebuilt; emitter-appended) ---
"""Pipeline reference for scband-physics-informed-loss-58162447123311 (READ-ONLY COPY).

The authoritative reference and input builder live on the scoring server;
editing this copy changes nothing except your own understanding.
"""

import jax, jax.numpy as jnp
import numpy as np

N = 6400000
G = 1024

def setup_inputs(seed: int = 0) -> dict:
    key = jax.random.key(seed)
    k1, k2, k3, k4 = jax.random.split(key, 4)
    pred = jax.random.normal(k1, (N, 6), dtype=jnp.float32)
    target = jax.random.normal(k2, (N, 6), dtype=jnp.float32)
    masses = jax.random.uniform(k3, (N,), dtype=jnp.float32)
    batch_index = jnp.sort(jax.random.randint(k4, (N,), 0, G))
    return {"pred": pred, "target": target, "masses": masses, "batch_index": batch_index}

def reference(pred, target, masses, batch_index):
    position_weight = 1.0
    velocity_weight = 1.0
    energy_weight = 0.1
    momentum_weight = 0.1

    pred_pos = pred[..., :3]
    pred_vel = pred[..., 3:6]
    target_pos = target[..., :3]
    target_vel = target[..., 3:6]

    pos_loss = jnp.mean((pred_pos - target_pos) ** 2)
    vel_loss = jnp.mean((pred_vel - target_vel) ** 2)

    n_graphs = jnp.max(batch_index) + 1

    mass_scale = jnp.mean(masses)
    norm_masses = jnp.where(mass_scale > 0, masses / mass_scale, masses)

    # momentum conservation term
    pred_momentum = norm_masses[:, None] * pred_vel
    target_momentum = norm_masses[:, None] * target_vel
    pred_total_mom = jax.ops.segment_sum(pred_momentum, batch_index, num_segments=G)
    target_total_mom = jax.ops.segment_sum(target_momentum, batch_index, num_segments=G)
    momentum_loss = jnp.sum((pred_total_mom - target_total_mom) ** 2) / (n_graphs * 3)

    # energy conservation term
    pred_ke = 0.5 * norm_masses * jnp.sum(pred_vel ** 2, axis=-1)
    target_ke = 0.5 * norm_masses * jnp.sum(target_vel ** 2, axis=-1)
    pred_total_ke = jax.ops.segment_sum(pred_ke, batch_index, num_segments=G)
    target_total_ke = jax.ops.segment_sum(target_ke, batch_index, num_segments=G)
    energy_loss = jnp.sum((pred_total_ke - target_total_ke) ** 2) / n_graphs

    total_loss = (position_weight * pos_loss + velocity_weight * vel_loss
                  + energy_weight * energy_loss + momentum_weight * momentum_loss)
    return (total_loss, pos_loss, vel_loss, energy_loss, momentum_loss)

if __name__ == "__main__":
    import jax
    _d = setup_inputs()
    print(jax.jit(kernel)(*tuple(_d.values())))

</pallas_src>

<mosaic_0001>
#map = affine_map<(d0, d1) -> (0, 0)>
module attributes {stable_mosaic.version = 14 : i64} {
  func.func @physics_loss_sc(%arg0: i32, %arg1: i32, %arg2: memref<3200000x11xf32, #tpu.memory_space<hbm>>, %arg3: memref<32x4224xf32, #tpu.memory_space<hbm>>, %arg4: memref<400x11xf32, #tpu.memory_space<vmem>>, %arg5: memref<400x11xf32, #tpu.memory_space<vmem>>, %arg6: memref<4096xf32, #tpu.memory_space<vmem>>, %arg7: memref<128xf32, #tpu.memory_space<vmem>>, %arg8: memref<!tpu.dma_semaphore, #tpu.memory_space<semaphore_mem>>, %arg9: memref<!tpu.dma_semaphore, #tpu.memory_space<semaphore_mem>>) attributes {dimension_semantics = [#tpu.dimension_semantics<core_parallel>, #tpu.dimension_semantics<subcore_parallel>], iteration_bounds = array<i64: 2, 16>, scalar_prefetch = 0 : i64, scratch_operands = 6 : i64, tpu.core_type = #tpu.core_type<sc_vector_subcore>, window_params = [{transform_indices = #map}, {transform_indices = #map}]} {
    %mul3A = arith.constant 2 : i32
    %mul3A_0 = arith.muli %arg1, %mul3A : i32
    %add3A = arith.addi %mul3A_0, %arg0 : i32
    %broadcast_in_dim3A = arith.constant 0.000000e+00 : f32
    %broadcast_in_dim3A_1 = vector.broadcast %broadcast_in_dim3A : f32 to vector<16xf32>
    %scan3A = arith.constant 0 : i32
    %scan3A_2 = arith.constant 0 : i32
    %scan3A_3 = arith.constant 256 : i32
    %scan3A_4 = arith.addi %scan3A_2, %scan3A_3 : i32
    %scan3A_5 = arith.constant 1 : i32
    scf.for %scan3A_79 = %scan3A_2 to %scan3A_4 step %scan3A_5  : i32 {
      %mul3A_80 = arith.constant 16 : i32
      %mul3A_81 = arith.muli %scan3A_79, %mul3A_80 : i32
      %swap3A_82 = arith.index_cast %mul3A_81 : i32 to index
      %swap3A_83 = tpu.vector_load %arg6[%swap3A_82] {strides = array<i32>} : memref<4096xf32, #tpu.memory_space<vmem>>, vector<16xf32>,
      tpu.vector_store %arg6[%swap3A_82], %broadcast_in_dim3A_1 {strides = array<i32>} : memref<4096xf32, #tpu.memory_space<vmem>>, vector<16xf32>,
    }
    %scan3A_6 = arith.constant 256 : i32
    %mul3A_7 = arith.constant 250 : i32
    %mul3A_8 = arith.muli %add3A, %mul3A_7 : i32
    %add3A_9 = arith.constant 0 : i32
    %add3A_10 = arith.addi %mul3A_8, %add3A_9 : i32
    %dma_start3A = tpu.memref_reshape %arg2 : memref<3200000x11xf32, #tpu.memory_space<hbm>> -> memref<8000x400x11xf32, #tpu.memory_space<hbm>>
    %dma_start3A_11 = arith.constant 0 : i32
    %dma_start3A_12 = arith.constant 0 : i32
    %dma_start3A_13 = tpu.memref_slice %dma_start3A[%add3A_10, %dma_start3A_11, %dma_start3A_12] : memref<8000x400x11xf32, #tpu.memory_space<hbm>> -> memref<1x400x11xf32, #tpu.memory_space<hbm>>
    %dma_start3A_14 = tpu.memref_squeeze %dma_start3A_13 : memref<1x400x11xf32, #tpu.memory_space<hbm>> -> memref<400x11xf32, #tpu.memory_space<hbm>>
    %dma_start3A_15 = tpu.memref_reshape %arg2 : memref<3200000x11xf32, #tpu.memory_space<hbm>> -> memref<8000x400x11xf32, #tpu.memory_space<hbm>>
    %dma_start3A_16 = arith.constant 0 : i32
    %dma_start3A_17 = arith.constant 0 : i32
    %dma_start3A_18 = tpu.memref_slice %dma_start3A_15[%add3A_10, %dma_start3A_16, %dma_start3A_17] : memref<8000x400x11xf32, #tpu.memory_space<hbm>> -> memref<1x400x11xf32, #tpu.memory_space<hbm>>
    %dma_start3A_19 = tpu.memref_squeeze %dma_start3A_18 : memref<1x400x11xf32, #tpu.memory_space<hbm>> -> memref<400x11xf32, #tpu.memory_space<hbm>>
    tpu.enqueue_dma source(%dma_start3A_19 : memref<400x11xf32, #tpu.memory_space<hbm>>) target(%arg4 : memref<400x11xf32, #tpu.memory_space<vmem>>) target_semaphore(%arg8 : memref<!tpu.dma_semaphore, #tpu.memory_space<semaphore_mem>>)
    %mul3A_20 = arith.constant 250 : i32
    %mul3A_21 = arith.muli %add3A, %mul3A_20 : i32
    %add3A_22 = arith.constant 1 : i32
    %add3A_23 = arith.addi %mul3A_21, %add3A_22 : i32
    %dma_start3A_24 = tpu.memref_reshape %arg2 : memref<3200000x11xf32, #tpu.memory_space<hbm>> -> memref<8000x400x11xf32, #tpu.memory_space<hbm>>
    %dma_start3A_25 = arith.constant 0 : i32
    %dma_start3A_26 = arith.constant 0 : i32
    %dma_start3A_27 = tpu.memref_slice %dma_start3A_24[%add3A_23, %dma_start3A_25, %dma_start3A_26] : memref<8000x400x11xf32, #tpu.memory_space<hbm>> -> memref<1x400x11xf32, #tpu.memory_space<hbm>>
    %dma_start3A_28 = tpu.memref_squeeze %dma_start3A_27 : memref<1x400x11xf32, #tpu.memory_space<hbm>> -> memref<400x11xf32, #tpu.memory_space<hbm>>
    %dma_start3A_29 = tpu.memref_reshape %arg2 : memref<3200000x11xf32, #tpu.memory_space<hbm>> -> memref<8000x400x11xf32, #tpu.memory_space<hbm>>
    %dma_start3A_30 = arith.constant 0 : i32
    %dma_start3A_31 = arith.constant 0 : i32
    %dma_start3A_32 = tpu.memref_slice %dma_start3A_29[%add3A_23, %dma_start3A_30, %dma_start3A_31] : memref<8000x400x11xf32, #tpu.memory_space<hbm>> -> memref<1x400x11xf32, #tpu.memory_space<hbm>>
    %dma_start3A_33 = tpu.memref_squeeze %dma_start3A_32 : memref<1x400x11xf32, #tpu.memory_space<hbm>> -> memref<400x11xf32, #tpu.memory_space<hbm>>
    tpu.enqueue_dma source(%dma_start3A_33 : memref<400x11xf32, #tpu.memory_space<hbm>>) target(%arg5 : memref<400x11xf32, #tpu.memory_space<vmem>>) target_semaphore(%arg9 : memref<!tpu.dma_semaphore, #tpu.memory_space<semaphore_mem>>)
    %iota3A = tpu.iota {dimensions = array<i32: 0>} : vector<16xi32>
    %broadcast_in_dim3A_34 = arith.constant 0 : i32
    %broadcast_in_dim3A_35 = vector.broadcast %broadcast_in_dim3A_34 : i32 to vector<16xi32>
    %broadcast_in_dim3A_36 = arith.constant 1 : i32
    %broadcast_in_dim3A_37 = vector.broadcast %broadcast_in_dim3A_36 : i32 to vector<16xi32>
    %broadcast_in_dim3A_38 = arith.constant 2 : i32
    %broadcast_in_dim3A_39 = vector.broadcast %broadcast_in_dim3A_38 : i32 to vector<16xi32>
    %broadcast_in_dim3A_40 = arith.constant 3 : i32
    %broadcast_in_dim3A_41 = vector.broadcast %broadcast_in_dim3A_40 : i32 to vector<16xi32>
    %broadcast_in_dim3A_42 = arith.constant 4 : i32
    %broadcast_in_dim3A_43 = vector.broadcast %broadcast_in_dim3A_42 : i32 to vector<16xi32>
    %broadcast_in_dim3A_44 = arith.constant 5 : i32
    %broadcast_in_dim3A_45 = vector.broadcast %broadcast_in_dim3A_44 : i32 to vector<16xi32>
    %broadcast_in_dim3A_46 = arith.constant 6 : i32
    %broadcast_in_dim3A_47 = vector.broadcast %broadcast_in_dim3A_46 : i32 to vector<16xi32>
    %broadcast_in_dim3A_48 = arith.constant 7 : i32
    %broadcast_in_dim3A_49 = vector.broadcast %broadcast_in_dim3A_48 : i32 to vector<16xi32>
    %broadcast_in_dim3A_50 = arith.constant 8 : i32
    %broadcast_in_dim3A_51 = vector.broadcast %broadcast_in_dim3A_50 : i32 to vector<16xi32>
    %broadcast_in_dim3A_52 = arith.constant 9 : i32
    %broadcast_in_dim3A_53 = vector.broadcast %broadcast_in_dim3A_52 : i32 to vector<16xi32>
    %broadcast_in_dim3A_54 = arith.constant 10 : i32
    %broadcast_in_dim3A_55 = vector.broadcast %broadcast_in_dim3A_54 : i32 to vector<16xi32>
    %broadcast_in_dim3A_56 = arith.constant -1 : i32
    %broadcast_in_dim3A_57 = vector.broadcast %broadcast_in_dim3A_56 : i32 to vector<16xi32>
    %scan3A_58 = arith.constant 0 : i32
    %scan3A_59 = arith.constant 125 : i32
    %scan3A_60 = arith.addi %scan3A_58, %scan3A_59 : i32
    %scan3A_61 = arith.constant 1 : i32
    %scan3A_62:4 = scf.for %scan3A_79 = %scan3A_58 to %scan3A_60 step %scan3A_61 iter_args(%scan3A_80 = %broadcast_in_dim3A_1, %scan3A_81 = %broadcast_in_dim3A_1, %scan3A_82 = %broadcast_in_dim3A_1, %scan3A_83 = %broadcast_in_dim3A_57) -> (vector<16xf32>, vector<16xf32>, vector<16xf32>, vector<16xi32>)  : i32 {
      %mul3A_84 = arith.constant 2 : i32
      %mul3A_85 = arith.muli %mul3A_84, %scan3A_79 : i32
      %add3A_86 = arith.constant 0 : i32
      %add3A_87 = arith.addi %mul3A_85, %add3A_86 : i32
      %mul3A_88 = arith.constant 250 : i32
      %mul3A_89 = arith.muli %add3A, %mul3A_88 : i32
      %add3A_90 = arith.addi %mul3A_89, %add3A_87 : i32
      %dma_wait3A = tpu.memref_reshape %arg2 : memref<3200000x11xf32, #tpu.memory_space<hbm>> -> memref<8000x400x11xf32, #tpu.memory_space<hbm>>
      %dma_wait3A_91 = arith.constant 0 : i32
      %dma_wait3A_92 = arith.constant 0 : i32
      %dma_wait3A_93 = tpu.memref_slice %dma_wait3A[%add3A_90, %dma_wait3A_91, %dma_wait3A_92] : memref<8000x400x11xf32, #tpu.memory_space<hbm>> -> memref<1x400x11xf32, #tpu.memory_space<hbm>>
      %dma_wait3A_94 = tpu.memref_squeeze %dma_wait3A_93 : memref<1x400x11xf32, #tpu.memory_space<hbm>> -> memref<400x11xf32, #tpu.memory_space<hbm>>
      %dma_wait3A_95 = tpu.memref_reshape %arg2 : memref<3200000x11xf32, #tpu.memory_space<hbm>> -> memref<8000x400x11xf32, #tpu.memory_space<hbm>>
      %dma_wait3A_96 = arith.constant 0 : i32
      %dma_wait3A_97 = arith.constant 0 : i32
      %dma_wait3A_98 = tpu.memref_slice %dma_wait3A_95[%add3A_90, %dma_wait3A_96, %dma_wait3A_97] : memref<8000x400x11xf32, #tpu.memory_space<hbm>> -> memref<1x400x11xf32, #tpu.memory_space<hbm>>
      %dma_wait3A_99 = tpu.memref_squeeze %dma_wait3A_98 : memref<1x400x11xf32, #tpu.memory_space<hbm>> -> memref<400x11xf32, #tpu.memory_space<hbm>>
      tpu.wait_dma2 semaphore(%arg8 : memref<!tpu.dma_semaphore, #tpu.memory_space<semaphore_mem>>) src(%dma_wait3A_99 : memref<400x11xf32, #tpu.memory_space<hbm>>) dst(%arg4 : memref<400x11xf32, #tpu.memory_space<vmem>>)
      %scan3A_100 = arith.constant 0 : i32
      %scan3A_101 = arith.constant 25 : i32
      %scan3A_102 = arith.addi %scan3A_100, %scan3A_101 : i32
      %scan3A_103 = arith.constant 1 : i32
      %scan3A_104:4 = scf.for %scan3A_141 = %scan3A_100 to %scan3A_102 step %scan3A_103 iter_args(%scan3A_142 = %scan3A_80, %scan3A_143 = %scan3A_81, %scan3A_144 = %scan3A_82, %scan3A_145 = %scan3A_83) -> (vector<16xf32>, vector<16xf32>, vector<16xf32>, vector<16xi32>)  : i32 {
        %mul3A_146 = arith.constant 16 : i32
        %mul3A_147 = arith.muli %scan3A_141, %mul3A_146 : i32
        %add3A_148 = arith.constant 0 : i32
        %add3A_149 = arith.addi %mul3A_147, %add3A_148 : i32
        %add3A_150 = vector.broadcast %add3A_149 : i32 to vector<16xi32>
        %add3A_151 = arith.addi %add3A_150, %iota3A : vector<16xi32>
        %gather3A = tpu.vector_load_idx %arg4[%add3A_151, %broadcast_in_dim3A_35] : memref<400x11xf32, #tpu.memory_space<vmem>>[vector<16xi32>, vector<16xi32>], vector<16xf32>,
        %gather3A_152 = tpu.vector_load_idx %arg4[%add3A_151, %broadcast_in_dim3A_37] : memref<400x11xf32, #tpu.memory_space<vmem>>[vector<16xi32>, vector<16xi32>], vector<16xf32>,
        %gather3A_153 = tpu.vector_load_idx %arg4[%add3A_151, %broadcast_in_dim3A_39] : memref<400x11xf32, #tpu.memory_space<vmem>>[vector<16xi32>, vector<16xi32>], vector<16xf32>,
        %gather3A_154 = tpu.vector_load_idx %arg4[%add3A_151, %broadcast_in_dim3A_41] : memref<400x11xf32, #tpu.memory_space<vmem>>[vector<16xi32>, vector<16xi32>], vector<16xf32>,
        %gather3A_155 = tpu.vector_load_idx %arg4[%add3A_151, %broadcast_in_dim3A_43] : memref<400x11xf32, #tpu.memory_space<vmem>>[vector<16xi32>, vector<16xi32>], vector<16xf32>,
        %gather3A_156 = tpu.vector_load_idx %arg4[%add3A_151, %broadcast_in_dim3A_45] : memref<400x11xf32, #tpu.memory_space<vmem>>[vector<16xi32>, vector<16xi32>], vector<16xf32>,
        %gather3A_157 = tpu.vector_load_idx %arg4[%add3A_151, %broadcast_in_dim3A_47] : memref<400x11xf32, #tpu.memory_space<vmem>>[vector<16xi32>, vector<16xi32>], vector<16xf32>,
        %gather3A_158 = tpu.vector_load_idx %arg4[%add3A_151, %broadcast_in_dim3A_49] : memref<400x11xf32, #tpu.memory_space<vmem>>[vector<16xi32>, vector<16xi32>], vector<16xf32>,
        %gather3A_159 = tpu.vector_load_idx %arg4[%add3A_151, %broadcast_in_dim3A_51] : memref<400x11xf32, #tpu.memory_space<vmem>>[vector<16xi32>, vector<16xi32>], vector<16xf32>,
        %gather3A_160 = tpu.vector_load_idx %arg4[%add3A_151, %broadcast_in_dim3A_53] : memref<400x11xf32, #tpu.memory_space<vmem>>[vector<16xi32>, vector<16xi32>], vector<16xf32>,
        %gather3A_161 = tpu.vector_load_idx %arg4[%add3A_151, %broadcast_in_dim3A_55] : memref<400x11xf32, #tpu.memory_space<vmem>>[vector<16xi32>, vector<16xi32>], vector<16xf32>,
        %convert_element_type3A_162 = arith.fptosi %gather3A_161 : vector<16xf32> to vector<16xi32>
        %mul3A_163 = arith.mulf %gather3A, %gather3A : vector<16xf32>
        %add3A_164 = arith.addf %scan3A_142, %mul3A_163 : vector<16xf32>
        %mul3A_165 = arith.mulf %gather3A_152, %gather3A_152 : vector<16xf32>
        %add3A_166 = arith.addf %add3A_164, %mul3A_165 : vector<16xf32>
        %mul3A_167 = arith.mulf %gather3A_153, %gather3A_153 : vector<16xf32>
        %add3A_168 = arith.addf %add3A_166, %mul3A_167 : vector<16xf32>
        %mul3A_169 = arith.mulf %gather3A_154, %gather3A_154 : vector<16xf32>
        %add3A_170 = arith.addf %scan3A_143, %mul3A_169 : vector<16xf32>
        %mul3A_171 = arith.mulf %gather3A_155, %gather3A_155 : vector<16xf32>
        %add3A_172 = arith.addf %add3A_170, %mul3A_171 : vector<16xf32>
        %mul3A_173 = arith.mulf %gather3A_156, %gather3A_156 : vector<16xf32>
        %add3A_174 = arith.addf %add3A_172, %mul3A_173 : vector<16xf32>
        %add3A_175 = arith.addf %scan3A_144, %gather3A_160 : vector<16xf32>
        %max3A = arith.maxsi %scan3A_145, %convert_element_type3A_162 : vector<16xi32>
        %mul3A_176 = arith.constant 4 : i32
        %mul3A_177 = vector.broadcast %mul3A_176 : i32 to vector<16xi32>
        %mul3A_178 = arith.muli %mul3A_177, %convert_element_type3A_162 : vector<16xi32>
        %mul3A_179 = arith.mulf %gather3A_160, %gather3A_154 : vector<16xf32>
        tpu.vector_store_idx %arg6[%mul3A_178], %mul3A_179 {add = true} : memref<4096xf32, #tpu.memory_space<vmem>>[vector<16xi32>], vector<16xf32>,
        %add3A_180 = arith.constant 1 : i32
        %add3A_181 = vector.broadcast %add3A_180 : i32 to vector<16xi32>
        %add3A_182 = arith.addi %mul3A_178, %add3A_181 : vector<16xi32>
        %mul3A_183 = arith.mulf %gather3A_160, %gather3A_155 : vector<16xf32>
        tpu.vector_store_idx %arg6[%add3A_182], %mul3A_183 {add = true} : memref<4096xf32, #tpu.memory_space<vmem>>[vector<16xi32>], vector<16xf32>,
        %add3A_184 = arith.constant 2 : i32
        %add3A_185 = vector.broadcast %add3A_184 : i32 to vector<16xi32>
        %add3A_186 = arith.addi %mul3A_178, %add3A_185 : vector<16xi32>
        %mul3A_187 = arith.mulf %gather3A_160, %gather3A_156 : vector<16xf32>
        tpu.vector_store_idx %arg6[%add3A_186], %mul3A_187 {add = true} : memref<4096xf32, #tpu.memory_space<vmem>>[vector<16xi32>], vector<16xf32>,
        %mul3A_188 = arith.constant 5.000000e-01 : f32
        %mul3A_189 = vector.broadcast %mul3A_188 : f32 to vector<16xf32>
        %mul3A_190 = arith.mulf %mul3A_189, %gather3A_160 : vector<16xf32>
        %mul3A_191 = arith.mulf %gather3A_154, %gather3A_157 : vector<16xf32>
        %mul3A_192 = arith.mulf %gather3A_155, %gather3A_158 : vector<16xf32>
        %add3A_193 = arith.addf %mul3A_191, %mul3A_192 : vector<16xf32>
        %mul3A_194 = arith.mulf %gather3A_156, %gather3A_159 : vector<16xf32>
        %add3A_195 = arith.addf %add3A_193, %mul3A_194 : vector<16xf32>
        %mul3A_196 = arith.mulf %mul3A_190, %add3A_195 : vector<16xf32>
        %add3A_197 = arith.constant 3 : i32
        %add3A_198 = vector.broadcast %add3A_197 : i32 to vector<16xi32>
        %add3A_199 = arith.addi %mul3A_178, %add3A_198 : vector<16xi32>
        tpu.vector_store_idx %arg6[%add3A_199], %mul3A_196 {add = true} : memref<4096xf32, #tpu.memory_space<vmem>>[vector<16xi32>], vector<16xf32>,
        scf.yield %add3A_168, %add3A_174, %add3A_175, %max3A : vector<16xf32>, vector<16xf32>, vector<16xf32>, vector<16xi32>
      }
      %scan3A_105 = arith.constant 25 : i32
      %add3A_106 = arith.constant 2 : i32
      %add3A_107 = arith.addi %add3A_87, %add3A_106 : i32
      %lt3A = arith.constant 250 : i32
      %lt3A_108 = arith.cmpi slt, %add3A_107, %lt3A : i32
      %convert_element_type3A_109 = arith.extui %lt3A_108 : i1 to i32
      %cond3A = arith.constant 0 : i32
      %cond3A_110 = arith.cmpi ne, %convert_element_type3A_109, %cond3A : i32
      scf.if %cond3A_110 {
        %add3A_141 = arith.constant 2 : i32
        %add3A_142 = arith.addi %add3A_87, %add3A_141 : i32
        %mul3A_143 = arith.constant 250 : i32
        %mul3A_144 = arith.muli %add3A, %mul3A_143 : i32
        %add3A_145 = arith.addi %mul3A_144, %add3A_142 : i32
        %dma_start3A_146 = tpu.memref_reshape %arg2 : memref<3200000x11xf32, #tpu.memory_space<hbm>> -> memref<8000x400x11xf32, #tpu.memory_space<hbm>>
        %dma_start3A_147 = arith.constant 0 : i32
        %dma_start3A_148 = arith.constant 0 : i32
        %dma_start3A_149 = tpu.memref_slice %dma_start3A_146[%add3A_145, %dma_start3A_147, %dma_start3A_148] : memref<8000x400x11xf32, #tpu.memory_space<hbm>> -> memref<1x400x11xf32, #tpu.memory_space<hbm>>
        %dma_start3A_150 = tpu.memref_squeeze %dma_start3A_149 : memref<1x400x11xf32, #tpu.memory_space<hbm>> -> memref<400x11xf32, #tpu.memory_space<hbm>>
        %dma_start3A_151 = tpu.memref_reshape %arg2 : memref<3200000x11xf32, #tpu.memory_space<hbm>> -> memref<8000x400x11xf32, #tpu.memory_space<hbm>>
        %dma_start3A_152 = arith.constant 0 : i32
        %dma_start3A_153 = arith.constant 0 : i32
        %dma_start3A_154 = tpu.memref_slice %dma_start3A_151[%add3A_145, %dma_start3A_152, %dma_start3A_153] : memref<8000x400x11xf32, #tpu.memory_space<hbm>> -> memref<1x400x11xf32, #tpu.memory_space<hbm>>
        %dma_start3A_155 = tpu.memref_squeeze %dma_start3A_154 : memref<1x400x11xf32, #tpu.memory_space<hbm>> -> memref<400x11xf32, #tpu.memory_space<hbm>>
        tpu.enqueue_dma source(%dma_start3A_155 : memref<400x11xf32, #tpu.memory_space<hbm>>) target(%arg4 : memref<400x11xf32, #tpu.memory_space<vmem>>) target_semaphore(%arg8 : memref<!tpu.dma_semaphore, #tpu.memory_space<semaphore_mem>>)
      } else {
      }
      %mul3A_111 = arith.constant 2 : i32
      %mul3A_112 = arith.muli %mul3A_111, %scan3A_79 : i32
      %add3A_113 = arith.constant 1 : i32
      %add3A_114 = arith.addi %mul3A_112, %add3A_113 : i32
      %mul3A_115 = arith.constant 250 : i32
      %mul3A_116 = arith.muli %add3A, %mul3A_115 : i32
      %add3A_117 = arith.addi %mul3A_116, %add3A_114 : i32
      %dma_wait3A_118 = tpu.memref_reshape %arg2 : memref<3200000x11xf32, #tpu.memory_space<hbm>> -> memref<8000x400x11xf32, #tpu.memory_space<hbm>>
      %dma_wait3A_119 = arith.constant 0 : i32
      %dma_wait3A_120 = arith.constant 0 : i32
      %dma_wait3A_121 = tpu.memref_slice %dma_wait3A_118[%add3A_117, %dma_wait3A_119, %dma_wait3A_120] : memref<8000x400x11xf32, #tpu.memory_space<hbm>> -> memref<1x400x11xf32, #tpu.memory_space<hbm>>
      %dma_wait3A_122 = tpu.memref_squeeze %dma_wait3A_121 : memref<1x400x11xf32, #tpu.memory_space<hbm>> -> memref<400x11xf32, #tpu.memory_space<hbm>>
      %dma_wait3A_123 = tpu.memref_reshape %arg2 : memref<3200000x11xf32, #tpu.memory_space<hbm>> -> memref<8000x400x11xf32, #tpu.memory_space<hbm>>
      %dma_wait3A_124 = arith.constant 0 : i32
      %dma_wait3A_125 = arith.constant 0 : i32
      %dma_wait3A_126 = tpu.memref_slice %dma_wait3A_123[%add3A_117, %dma_wait3A_124, %dma_wait3A_125] : memref<8000x400x11xf32, #tpu.memory_space<hbm>> -> memref<1x400x11xf32, #tpu.memory_space<hbm>>
      %dma_wait3A_127 = tpu.memref_squeeze %dma_wait3A_126 : memref<1x400x11xf32, #tpu.memory_space<hbm>> -> memref<400x11xf32, #tpu.memory_space<hbm>>
      tpu.wait_dma2 semaphore(%arg9 : memref<!tpu.dma_semaphore, #tpu.memory_space<semaphore_mem>>) src(%dma_wait3A_127 : memref<400x11xf32, #tpu.memory_space<hbm>>) dst(%arg5 : memref<400x11xf32, #tpu.memory_space<vmem>>)
      %scan3A_128 = arith.constant 0 : i32
      %scan3A_129 = arith.constant 25 : i32
      %scan3A_130 = arith.addi %scan3A_128, %scan3A_129 : i32
      %scan3A_131 = arith.constant 1 : i32
      %scan3A_132:4 = scf.for %scan3A_141 = %scan3A_128 to %scan3A_130 step %scan3A_131 iter_args(%scan3A_142 = %scan3A_104#0, %scan3A_143 = %scan3A_104#1, %scan3A_144 = %scan3A_104#2, %scan3A_145 = %scan3A_104#3) -> (vector<16xf32>, vector<16xf32>, vector<16xf32>, vector<16xi32>)  : i32 {
        %mul3A_146 = arith.constant 16 : i32
        %mul3A_147 = arith.muli %scan3A_141, %mul3A_146 : i32
        %add3A_148 = arith.constant 0 : i32
        %add3A_149 = arith.addi %mul3A_147, %add3A_148 : i32
        %add3A_150 = vector.broadcast %add3A_149 : i32 to vector<16xi32>
        %add3A_151 = arith.addi %add3A_150, %iota3A : vector<16xi32>
        %gather3A = tpu.vector_load_idx %arg5[%add3A_151, %broadcast_in_dim3A_35] : memref<400x11xf32, #tpu.memory_space<vmem>>[vector<16xi32>, vector<16xi32>], vector<16xf32>,
        %gather3A_152 = tpu.vector_load_idx %arg5[%add3A_151, %broadcast_in_dim3A_37] : memref<400x11xf32, #tpu.memory_space<vmem>>[vector<16xi32>, vector<16xi32>], vector<16xf32>,
        %gather3A_153 = tpu.vector_load_idx %arg5[%add3A_151, %broadcast_in_dim3A_39] : memref<400x11xf32, #tpu.memory_space<vmem>>[vector<16xi32>, vector<16xi32>], vector<16xf32>,
        %gather3A_154 = tpu.vector_load_idx %arg5[%add3A_151, %broadcast_in_dim3A_41] : memref<400x11xf32, #tpu.memory_space<vmem>>[vector<16xi32>, vector<16xi32>], vector<16xf32>,
        %gather3A_155 = tpu.vector_load_idx %arg5[%add3A_151, %broadcast_in_dim3A_43] : memref<400x11xf32, #tpu.memory_space<vmem>>[vector<16xi32>, vector<16xi32>], vector<16xf32>,
        %gather3A_156 = tpu.vector_load_idx %arg5[%add3A_151, %broadcast_in_dim3A_45] : memref<400x11xf32, #tpu.memory_space<vmem>>[vector<16xi32>, vector<16xi32>], vector<16xf32>,
        %gather3A_157 = tpu.vector_load_idx %arg5[%add3A_151, %broadcast_in_dim3A_47] : memref<400x11xf32, #tpu.memory_space<vmem>>[vector<16xi32>, vector<16xi32>], vector<16xf32>,
        %gather3A_158 = tpu.vector_load_idx %arg5[%add3A_151, %broadcast_in_dim3A_49] : memref<400x11xf32, #tpu.memory_space<vmem>>[vector<16xi32>, vector<16xi32>], vector<16xf32>,
        %gather3A_159 = tpu.vector_load_idx %arg5[%add3A_151, %broadcast_in_dim3A_51] : memref<400x11xf32, #tpu.memory_space<vmem>>[vector<16xi32>, vector<16xi32>], vector<16xf32>,
        %gather3A_160 = tpu.vector_load_idx %arg5[%add3A_151, %broadcast_in_dim3A_53] : memref<400x11xf32, #tpu.memory_space<vmem>>[vector<16xi32>, vector<16xi32>], vector<16xf32>,
        %gather3A_161 = tpu.vector_load_idx %arg5[%add3A_151, %broadcast_in_dim3A_55] : memref<400x11xf32, #tpu.memory_space<vmem>>[vector<16xi32>, vector<16xi32>], vector<16xf32>,
        %convert_element_type3A_162 = arith.fptosi %gather3A_161 : vector<16xf32> to vector<16xi32>
        %mul3A_163 = arith.mulf %gather3A, %gather3A : vector<16xf32>
        %add3A_164 = arith.addf %scan3A_142, %mul3A_163 : vector<16xf32>
        %mul3A_165 = arith.mulf %gather3A_152, %gather3A_152 : vector<16xf32>
        %add3A_166 = arith.addf %add3A_164, %mul3A_165 : vector<16xf32>
        %mul3A_167 = arith.mulf %gather3A_153, %gather3A_153 : vector<16xf32>
        %add3A_168 = arith.addf %add3A_166, %mul3A_167 : vector<16xf32>
        %mul3A_169 = arith.mulf %gather3A_154, %gather3A_154 : vector<16xf32>
        %add3A_170 = arith.addf %scan3A_143, %mul3A_169 : vector<16xf32>
        %mul3A_171 = arith.mulf %gather3A_155, %gather3A_155 : vector<16xf32>
        %add3A_172 = arith.addf %add3A_170, %mul3A_171 : vector<16xf32>
        %mul3A_173 = arith.mulf %gather3A_156, %gather3A_156 : vector<16xf32>
        %add3A_174 = arith.addf %add3A_172, %mul3A_173 : vector<16xf32>
        %add3A_175 = arith.addf %scan3A_144, %gather3A_160 : vector<16xf32>
        %max3A = arith.maxsi %scan3A_145, %convert_element_type3A_162 : vector<16xi32>
        %mul3A_176 = arith.constant 4 : i32
        %mul3A_177 = vector.broadcast %mul3A_176 : i32 to vector<16xi32>
        %mul3A_178 = arith.muli %mul3A_177, %convert_element_type3A_162 : vector<16xi32>
        %mul3A_179 = arith.mulf %gather3A_160, %gather3A_154 : vector<16xf32>
        tpu.vector_store_idx %arg6[%mul3A_178], %mul3A_179 {add = true} : memref<4096xf32, #tpu.memory_space<vmem>>[vector<16xi32>], vector<16xf32>,
        %add3A_180 = arith.constant 1 : i32
        %add3A_181 = vector.broadcast %add3A_180 : i32 to vector<16xi32>
        %add3A_182 = arith.addi %mul3A_178, %add3A_181 : vector<16xi32>
        %mul3A_183 = arith.mulf %gather3A_160, %gather3A_155 : vector<16xf32>
        tpu.vector_store_idx %arg6[%add3A_182], %mul3A_183 {add = true} : memref<4096xf32, #tpu.memory_space<vmem>>[vector<16xi32>], vector<16xf32>,
        %add3A_184 = arith.constant 2 : i32
        %add3A_185 = vector.broadcast %add3A_184 : i32 to vector<16xi32>
        %add3A_186 = arith.addi %mul3A_178, %add3A_185 : vector<16xi32>
        %mul3A_187 = arith.mulf %gather3A_160, %gather3A_156 : vector<16xf32>
        tpu.vector_store_idx %arg6[%add3A_186], %mul3A_187 {add = true} : memref<4096xf32, #tpu.memory_space<vmem>>[vector<16xi32>], vector<16xf32>,
        %mul3A_188 = arith.constant 5.000000e-01 : f32
        %mul3A_189 = vector.broadcast %mul3A_188 : f32 to vector<16xf32>
        %mul3A_190 = arith.mulf %mul3A_189, %gather3A_160 : vector<16xf32>
        %mul3A_191 = arith.mulf %gather3A_154, %gather3A_157 : vector<16xf32>
        %mul3A_192 = arith.mulf %gather3A_155, %gather3A_158 : vector<16xf32>
        %add3A_193 = arith.addf %mul3A_191, %mul3A_192 : vector<16xf32>
        %mul3A_194 = arith.mulf %gather3A_156, %gather3A_159 : vector<16xf32>
        %add3A_195 = arith.addf %add3A_193, %mul3A_194 : vector<16xf32>
        %mul3A_196 = arith.mulf %mul3A_190, %add3A_195 : vector<16xf32>
        %add3A_197 = arith.constant 3 : i32
        %add3A_198 = vector.broadcast %add3A_197 : i32 to vector<16xi32>
        %add3A_199 = arith.addi %mul3A_178, %add3A_198 : vector<16xi32>
        tpu.vector_store_idx %arg6[%add3A_199], %mul3A_196 {add = true} : memref<4096xf32, #tpu.memory_space<vmem>>[vector<16xi32>], vector<16xf32>,
        scf.yield %add3A_168, %add3A_174, %add3A_175, %max3A : vector<16xf32>, vector<16xf32>, vector<16xf32>, vector<16xi32>
      }
      %scan3A_133 = arith.constant 25 : i32
      %add3A_134 = arith.constant 2 : i32
      %add3A_135 = arith.addi %add3A_114, %add3A_134 : i32
      %lt3A_136 = arith.constant 250 : i32
      %lt3A_137 = arith.cmpi slt, %add3A_135, %lt3A_136 : i32
      %convert_element_type3A_138 = arith.extui %lt3A_137 : i1 to i32
      %cond3A_139 = arith.constant 0 : i32
      %cond3A_140 = arith.cmpi ne, %convert_element_type3A_138, %cond3A_139 : i32
      scf.if %cond3A_140 {
        %add3A_141 = arith.constant 2 : i32
        %add3A_142 = arith.addi %add3A_114, %add3A_141 : i32
        %mul3A_143 = arith.constant 250 : i32
        %mul3A_144 = arith.muli %add3A, %mul3A_143 : i32
        %add3A_145 = arith.addi %mul3A_144, %add3A_142 : i32
        %dma_start3A_146 = tpu.memref_reshape %arg2 : memref<3200000x11xf32, #tpu.memory_space<hbm>> -> memref<8000x400x11xf32, #tpu.memory_space<hbm>>
        %dma_start3A_147 = arith.constant 0 : i32
        %dma_start3A_148 = arith.constant 0 : i32
        %dma_start3A_149 = tpu.memref_slice %dma_start3A_146[%add3A_145, %dma_start3A_147, %dma_start3A_148] : memref<8000x400x11xf32, #tpu.memory_space<hbm>> -> memref<1x400x11xf32, #tpu.memory_space<hbm>>
        %dma_start3A_150 = tpu.memref_squeeze %dma_start3A_149 : memref<1x400x11xf32, #tpu.memory_space<hbm>> -> memref<400x11xf32, #tpu.memory_space<hbm>>
        %dma_start3A_151 = tpu.memref_reshape %arg2 : memref<3200000x11xf32, #tpu.memory_space<hbm>> -> memref<8000x400x11xf32, #tpu.memory_space<hbm>>
        %dma_start3A_152 = arith.constant 0 : i32
        %dma_start3A_153 = arith.constant 0 : i32
        %dma_start3A_154 = tpu.memref_slice %dma_start3A_151[%add3A_145, %dma_start3A_152, %dma_start3A_153] : memref<8000x400x11xf32, #tpu.memory_space<hbm>> -> memref<1x400x11xf32, #tpu.memory_space<hbm>>
        %dma_start3A_155 = tpu.memref_squeeze %dma_start3A_154 : memref<1x400x11xf32, #tpu.memory_space<hbm>> -> memref<400x11xf32, #tpu.memory_space<hbm>>
        tpu.enqueue_dma source(%dma_start3A_155 : memref<400x11xf32, #tpu.memory_space<hbm>>) target(%arg5 : memref<400x11xf32, #tpu.memory_space<vmem>>) target_semaphore(%arg9 : memref<!tpu.dma_semaphore, #tpu.memory_space<semaphore_mem>>)
      } else {
      }
      scf.yield %scan3A_132#0, %scan3A_132#1, %scan3A_132#2, %scan3A_132#3 : vector<16xf32>, vector<16xf32>, vector<16xf32>, vector<16xi32>
    }
    %scan3A_63 = arith.constant 125 : i32
    %swap3A = arith.constant 0 : index
    %swap3A_64 = tpu.vector_load %arg7[%swap3A] {strides = array<i32>} : memref<128xf32, #tpu.memory_space<vmem>>, vector<16xf32>,
    tpu.vector_store %arg7[%swap3A], %scan3A_62#0 {strides = array<i32>} : memref<128xf32, #tpu.memory_space<vmem>>, vector<16xf32>,
    %swap3A_65 = arith.constant 16 : index
    %swap3A_66 = tpu.vector_load %arg7[%swap3A_65] {strides = array<i32>} : memref<128xf32, #tpu.memory_space<vmem>>, vector<16xf32>,
    tpu.vector_store %arg7[%swap3A_65], %scan3A_62#1 {strides = array<i32>} : memref<128xf32, #tpu.memory_space<vmem>>, vector<16xf32>,
    %swap3A_67 = arith.constant 32 : index
    %swap3A_68 = tpu.vector_load %arg7[%swap3A_67] {strides = array<i32>} : memref<128xf32, #tpu.memory_space<vmem>>, vector<16xf32>,
    tpu.vector_store %arg7[%swap3A_67], %scan3A_62#2 {strides = array<i32>} : memref<128xf32, #tpu.memory_space<vmem>>, vector<16xf32>,
    %convert_element_type3A = arith.sitofp %scan3A_62#3 : vector<16xi32> to vector<16xf32>
    %swap3A_69 = arith.constant 48 : index
    %swap3A_70 = tpu.vector_load %arg7[%swap3A_69] {strides = array<i32>} : memref<128xf32, #tpu.memory_space<vmem>>, vector<16xf32>,
    tpu.vector_store %arg7[%swap3A_69], %convert_element_type3A {strides = array<i32>} : memref<128xf32, #tpu.memory_space<vmem>>, vector<16xf32>,
    %swap3A_71 = arith.constant 64 : index
    %swap3A_72 = tpu.vector_load %arg7[%swap3A_71] {strides = array<i32>} : memref<128xf32, #tpu.memory_space<vmem>>, vector<16xf32>,
    tpu.vector_store %arg7[%swap3A_71], %broadcast_in_dim3A_1 {strides = array<i32>} : memref<128xf32, #tpu.memory_space<vmem>>, vector<16xf32>,
    %swap3A_73 = arith.constant 80 : index
    %swap3A_74 = tpu.vector_load %arg7[%swap3A_73] {strides = array<i32>} : memref<128xf32, #tpu.memory_space<vmem>>, vector<16xf32>,
    tpu.vector_store %arg7[%swap3A_73], %broadcast_in_dim3A_1 {strides = array<i32>} : memref<128xf32, #tpu.memory_space<vmem>>, vector<16xf32>,
    %swap3A_75 = arith.constant 96 : index
    %swap3A_76 = tpu.vector_load %arg7[%swap3A_75] {strides = array<i32>} : memref<128xf32, #tpu.memory_space<vmem>>, vector<16xf32>,
    tpu.vector_store %arg7[%swap3A_75], %broadcast_in_dim3A_1 {strides = array<i32>} : memref<128xf32, #tpu.memory_space<vmem>>, vector<16xf32>,
    %swap3A_77 = arith.constant 112 : index
    %swap3A_78 = tpu.vector_load %arg7[%swap3A_77] {strides = array<i32>} : memref<128xf32, #tpu.memory_space<vmem>>, vector<16xf32>,
    tpu.vector_store %arg7[%swap3A_77], %broadcast_in_dim3A_1 {strides = array<i32>} : memref<128xf32, #tpu.memory_space<vmem>>, vector<16xf32>,
    "tpu.region"() ({
      %run_scoped3A = tpu.sem_alloc : memref<!tpu.dma_semaphore, #tpu.memory_space<semaphore_mem>>
      %dma_start3A_79 = arith.constant 0 : i32
      %dma_start3A_80 = tpu.memref_slice %arg3[%add3A, %dma_start3A_79] : memref<32x4224xf32, #tpu.memory_space<hbm>> -> memref<1x4096xf32, #tpu.memory_space<hbm>>
      %dma_start3A_81 = tpu.memref_squeeze %dma_start3A_80 : memref<1x4096xf32, #tpu.memory_space<hbm>> -> memref<4096xf32, #tpu.memory_space<hbm>>
      %dma_start3A_82 = arith.constant 0 : i32
      %dma_start3A_83 = tpu.memref_slice %arg3[%add3A, %dma_start3A_82] : memref<32x4224xf32, #tpu.memory_space<hbm>> -> memref<1x4096xf32, #tpu.memory_space<hbm>>
      %dma_start3A_84 = tpu.memref_squeeze %dma_start3A_83 : memref<1x4096xf32, #tpu.memory_space<hbm>> -> memref<4096xf32, #tpu.memory_space<hbm>>
      tpu.enqueue_dma source(%arg6 : memref<4096xf32, #tpu.memory_space<vmem>>) target(%dma_start3A_84 : memref<4096xf32, #tpu.memory_space<hbm>>) target_semaphore(%run_scoped3A : memref<!tpu.dma_semaphore, #tpu.memory_space<semaphore_mem>>)
      %dma_wait3A = arith.constant 0 : i32
      %dma_wait3A_85 = tpu.memref_slice %arg3[%add3A, %dma_wait3A] : memref<32x4224xf32, #tpu.memory_space<hbm>> -> memref<1x4096xf32, #tpu.memory_space<hbm>>
      %dma_wait3A_86 = tpu.memref_squeeze %dma_wait3A_85 : memref<1x4096xf32, #tpu.memory_space<hbm>> -> memref<4096xf32, #tpu.memory_space<hbm>>
      %dma_wait3A_87 = arith.constant 0 : i32
      %dma_wait3A_88 = tpu.memref_slice %arg3[%add3A, %dma_wait3A_87] : memref<32x4224xf32, #tpu.memory_space<hbm>> -> memref<1x4096xf32, #tpu.memory_space<hbm>>
      %dma_wait3A_89 = tpu.memref_squeeze %dma_wait3A_88 : memref<1x4096xf32, #tpu.memory_space<hbm>> -> memref<4096xf32, #tpu.memory_space<hbm>>
      tpu.wait_dma2 semaphore(%run_scoped3A : memref<!tpu.dma_semaphore, #tpu.memory_space<semaphore_mem>>) src(%arg6 : memref<4096xf32, #tpu.memory_space<vmem>>) dst(%dma_wait3A_89 : memref<4096xf32, #tpu.memory_space<hbm>>)
      tpu.yield
    }) : () -> ()
    "tpu.region"() ({
      %run_scoped3A = tpu.sem_alloc : memref<!tpu.dma_semaphore, #tpu.memory_space<semaphore_mem>>
      %dma_start3A_79 = arith.constant 4096 : i32
      %dma_start3A_80 = tpu.memref_slice %arg3[%add3A, %dma_start3A_79] : memref<32x4224xf32, #tpu.memory_space<hbm>> -> memref<1x128xf32, #tpu.memory_space<hbm>>
      %dma_start3A_81 = tpu.memref_squeeze %dma_start3A_80 : memref<1x128xf32, #tpu.memory_space<hbm>> -> memref<128xf32, #tpu.memory_space<hbm>>
      %dma_start3A_82 = arith.constant 4096 : i32
      %dma_start3A_83 = tpu.memref_slice %arg3[%add3A, %dma_start3A_82] : memref<32x4224xf32, #tpu.memory_space<hbm>> -> memref<1x128xf32, #tpu.memory_space<hbm>>
      %dma_start3A_84 = tpu.memref_squeeze %dma_start3A_83 : memref<1x128xf32, #tpu.memory_space<hbm>> -> memref<128xf32, #tpu.memory_space<hbm>>
      tpu.enqueue_dma source(%arg7 : memref<128xf32, #tpu.memory_space<vmem>>) target(%dma_start3A_84 : memref<128xf32, #tpu.memory_space<hbm>>) target_semaphore(%run_scoped3A : memref<!tpu.dma_semaphore, #tpu.memory_space<semaphore_mem>>)
      %dma_wait3A = arith.constant 4096 : i32
      %dma_wait3A_85 = tpu.memref_slice %arg3[%add3A, %dma_wait3A] : memref<32x4224xf32, #tpu.memory_space<hbm>> -> memref<1x128xf32, #tpu.memory_space<hbm>>
      %dma_wait3A_86 = tpu.memref_squeeze %dma_wait3A_85 : memref<1x128xf32, #tpu.memory_space<hbm>> -> memref<128xf32, #tpu.memory_space<hbm>>
      %dma_wait3A_87 = arith.constant 4096 : i32
      %dma_wait3A_88 = tpu.memref_slice %arg3[%add3A, %dma_wait3A_87] : memref<32x4224xf32, #tpu.memory_space<hbm>> -> memref<1x128xf32, #tpu.memory_space<hbm>>
      %dma_wait3A_89 = tpu.memref_squeeze %dma_wait3A_88 : memref<1x128xf32, #tpu.memory_space<hbm>> -> memref<128xf32, #tpu.memory_space<hbm>>
      tpu.wait_dma2 semaphore(%run_scoped3A : memref<!tpu.dma_semaphore, #tpu.memory_space<semaphore_mem>>) src(%arg7 : memref<128xf32, #tpu.memory_space<vmem>>) dst(%dma_wait3A_89 : memref<128xf32, #tpu.memory_space<hbm>>)
      tpu.yield
    }) : () -> ()
    return
  }
}

#map = affine_map<(d0, d1) -> (0, 0)>
module attributes {stable_mosaic.version = 14 : i64} {
  func.func @physics_loss_sc(%arg0: i32, %arg1: i32, %arg2: memref<3200000x11xf32, #tpu.memory_space<hbm>>, %arg3: memref<32x4224xf32, #tpu.memory_space<hbm>>, %arg4: memref<400x11xf32, #tpu.memory_space<vmem>>, %arg5: memref<400x11xf32, #tpu.memory_space<vmem>>, %arg6: memref<4096xf32, #tpu.memory_space<vmem>>, %arg7: memref<128xf32, #tpu.memory_space<vmem>>, %arg8: memref<!tpu.dma_semaphore, #tpu.memory_space<semaphore_mem>>, %arg9: memref<!tpu.dma_semaphore, #tpu.memory_space<semaphore_mem>>) attributes {dimension_semantics = [#tpu.dimension_semantics<core_parallel>, #tpu.dimension_semantics<subcore_parallel>], iteration_bounds = array<i64: 2, 16>, scalar_prefetch = 0 : i64, scratch_operands = 6 : i64, tpu.core_type = #tpu.core_type<sc_vector_subcore>, window_params = [{transform_indices = #map}, {transform_indices = #map}]} {
    %mul3A = arith.constant 2 : i32
    %mul3A_0 = arith.muli %arg1, %mul3A : i32
    %add3A = arith.addi %mul3A_0, %arg0 : i32
    %broadcast_in_dim3A = arith.constant 0.000000e+00 : f32
    %broadcast_in_dim3A_1 = vector.broadcast %broadcast_in_dim3A : f32 to vector<16xf32>
    %scan3A = arith.constant 0 : i32
    %scan3A_2 = arith.constant 0 : i32
    %scan3A_3 = arith.constant 256 : i32
    %scan3A_4 = arith.addi %scan3A_2, %scan3A_3 : i32
    %scan3A_5 = arith.constant 1 : i32
    scf.for %scan3A_79 = %scan3A_2 to %scan3A_4 step %scan3A_5  : i32 {
      %mul3A_80 = arith.constant 16 : i32
      %mul3A_81 = arith.muli %scan3A_79, %mul3A_80 : i32
      %swap3A_82 = arith.index_cast %mul3A_81 : i32 to index
      %swap3A_83 = tpu.vector_load %arg6[%swap3A_82] {strides = array<i32>} : memref<4096xf32, #tpu.memory_space<vmem>>, vector<16xf32>,
      tpu.vector_store %arg6[%swap3A_82], %broadcast_in_dim3A_1 {strides = array<i32>} : memref<4096xf32, #tpu.memory_space<vmem>>, vector<16xf32>,
    }
    %scan3A_6 = arith.constant 256 : i32
    %mul3A_7 = arith.constant 250 : i32
    %mul3A_8 = arith.muli %add3A, %mul3A_7 : i32
    %add3A_9 = arith.constant 0 : i32
    %add3A_10 = arith.addi %mul3A_8, %add3A_9 : i32
    %dma_start3A = tpu.memref_reshape %arg2 : memref<3200000x11xf32, #tpu.memory_space<hbm>> -> memref<8000x400x11xf32, #tpu.memory_space<hbm>>
    %dma_start3A_11 = arith.constant 0 : i32
    %dma_start3A_12 = arith.constant 0 : i32
    %dma_start3A_13 = tpu.memref_slice %dma_start3A[%add3A_10, %dma_start3A_11, %dma_start3A_12] : memref<8000x400x11xf32, #tpu.memory_space<hbm>> -> memref<1x400x11xf32, #tpu.memory_space<hbm>>
    %dma_start3A_14 = tpu.memref_squeeze %dma_start3A_13 : memref<1x400x11xf32, #tpu.memory_space<hbm>> -> memref<400x11xf32, #tpu.memory_space<hbm>>
    %dma_start3A_15 = tpu.memref_reshape %arg2 : memref<3200000x11xf32, #tpu.memory_space<hbm>> -> memref<8000x400x11xf32, #tpu.memory_space<hbm>>
    %dma_start3A_16 = arith.constant 0 : i32
    %dma_start3A_17 = arith.constant 0 : i32
    %dma_start3A_18 = tpu.memref_slice %dma_start3A_15[%add3A_10, %dma_start3A_16, %dma_start3A_17] : memref<8000x400x11xf32, #tpu.memory_space<hbm>> -> memref<1x400x11xf32, #tpu.memory_space<hbm>>
    %dma_start3A_19 = tpu.memref_squeeze %dma_start3A_18 : memref<1x400x11xf32, #tpu.memory_space<hbm>> -> memref<400x11xf32, #tpu.memory_space<hbm>>
    tpu.enqueue_dma source(%dma_start3A_19 : memref<400x11xf32, #tpu.memory_space<hbm>>) target(%arg4 : memref<400x11xf32, #tpu.memory_space<vmem>>) target_semaphore(%arg8 : memref<!tpu.dma_semaphore, #tpu.memory_space<semaphore_mem>>)
    %mul3A_20 = arith.constant 250 : i32
    %mul3A_21 = arith.muli %add3A, %mul3A_20 : i32
    %add3A_22 = arith.constant 1 : i32
    %add3A_23 = arith.addi %mul3A_21, %add3A_22 : i32
    %dma_start3A_24 = tpu.memref_reshape %arg2 : memref<3200000x11xf32, #tpu.memory_space<hbm>> -> memref<8000x400x11xf32, #tpu.memory_space<hbm>>
    %dma_start3A_25 = arith.constant 0 : i32
    %dma_start3A_26 = arith.constant 0 : i32
    %dma_start3A_27 = tpu.memref_slice %dma_start3A_24[%add3A_23, %dma_start3A_25, %dma_start3A_26] : memref<8000x400x11xf32, #tpu.memory_space<hbm>> -> memref<1x400x11xf32, #tpu.memory_space<hbm>>
    %dma_start3A_28 = tpu.memref_squeeze %dma_start3A_27 : memref<1x400x11xf32, #tpu.memory_space<hbm>> -> memref<400x11xf32, #tpu.memory_space<hbm>>
    %dma_start3A_29 = tpu.memref_reshape %arg2 : memref<3200000x11xf32, #tpu.memory_space<hbm>> -> memref<8000x400x11xf32, #tpu.memory_space<hbm>>
    %dma_start3A_30 = arith.constant 0 : i32
    %dma_start3A_31 = arith.constant 0 : i32
    %dma_start3A_32 = tpu.memref_slice %dma_start3A_29[%add3A_23, %dma_start3A_30, %dma_start3A_31] : memref<8000x400x11xf32, #tpu.memory_space<hbm>> -> memref<1x400x11xf32, #tpu.memory_space<hbm>>
    %dma_start3A_33 = tpu.memref_squeeze %dma_start3A_32 : memref<1x400x11xf32, #tpu.memory_space<hbm>> -> memref<400x11xf32, #tpu.memory_space<hbm>>
    tpu.enqueue_dma source(%dma_start3A_33 : memref<400x11xf32, #tpu.memory_space<hbm>>) target(%arg5 : memref<400x11xf32, #tpu.memory_space<vmem>>) target_semaphore(%arg9 : memref<!tpu.dma_semaphore, #tpu.memory_space<semaphore_mem>>)
    %iota3A = tpu.iota {dimensions = array<i32: 0>} : vector<16xi32>
    %broadcast_in_dim3A_34 = arith.constant 0 : i32
    %broadcast_in_dim3A_35 = vector.broadcast %broadcast_in_dim3A_34 : i32 to vector<16xi32>
    %broadcast_in_dim3A_36 = arith.constant 1 : i32
    %broadcast_in_dim3A_37 = vector.broadcast %broadcast_in_dim3A_36 : i32 to vector<16xi32>
    %broadcast_in_dim3A_38 = arith.constant 2 : i32
    %broadcast_in_dim3A_39 = vector.broadcast %broadcast_in_dim3A_38 : i32 to vector<16xi32>
    %broadcast_in_dim3A_40 = arith.constant 3 : i32
    %broadcast_in_dim3A_41 = vector.broadcast %broadcast_in_dim3A_40 : i32 to vector<16xi32>
    %broadcast_in_dim3A_42 = arith.constant 4 : i32
    %broadcast_in_dim3A_43 = vector.broadcast %broadcast_in_dim3A_42 : i32 to vector<16xi32>
    %broadcast_in_dim3A_44 = arith.constant 5 : i32
    %broadcast_in_dim3A_45 = vector.broadcast %broadcast_in_dim3A_44 : i32 to vector<16xi32>
    %broadcast_in_dim3A_46 = arith.constant 6 : i32
    %broadcast_in_dim3A_47 = vector.broadcast %broadcast_in_dim3A_46 : i32 to vector<16xi32>
    %broadcast_in_dim3A_48 = arith.constant 7 : i32
    %broadcast_in_dim3A_49 = vector.broadcast %broadcast_in_dim3A_48 : i32 to vector<16xi32>
    %broadcast_in_dim3A_50 = arith.constant 8 : i32
    %broadcast_in_dim3A_51 = vector.broadcast %broadcast_in_dim3A_50 : i32 to vector<16xi32>
    %broadcast_in_dim3A_52 = arith.constant 9 : i32
    %broadcast_in_dim3A_53 = vector.broadcast %broadcast_in_dim3A_52 : i32 to vector<16xi32>
    %broadcast_in_dim3A_54 = arith.constant 10 : i32
    %broadcast_in_dim3A_55 = vector.broadcast %broadcast_in_dim3A_54 : i32 to vector<16xi32>
    %broadcast_in_dim3A_56 = arith.constant -1 : i32
    %broadcast_in_dim3A_57 = vector.broadcast %broadcast_in_dim3A_56 : i32 to vector<16xi32>
    %scan3A_58 = arith.constant 0 : i32
    %scan3A_59 = arith.constant 125 : i32
    %scan3A_60 = arith.addi %scan3A_58, %scan3A_59 : i32
    %scan3A_61 = arith.constant 1 : i32
    %scan3A_62:4 = scf.for %scan3A_79 = %scan3A_58 to %scan3A_60 step %scan3A_61 iter_args(%scan3A_80 = %broadcast_in_dim3A_1, %scan3A_81 = %broadcast_in_dim3A_1, %scan3A_82 = %broadcast_in_dim3A_1, %scan3A_83 = %broadcast_in_dim3A_57) -> (vector<16xf32>, vector<16xf32>, vector<16xf32>, vector<16xi32>)  : i32 {
      %mul3A_84 = arith.constant 2 : i32
      %mul3A_85 = arith.muli %mul3A_84, %scan3A_79 : i32
      %add3A_86 = arith.constant 0 : i32
      %add3A_87 = arith.addi %mul3A_85, %add3A_86 : i32
      %mul3A_88 = arith.constant 250 : i32
      %mul3A_89 = arith.muli %add3A, %mul3A_88 : i32
      %add3A_90 = arith.addi %mul3A_89, %add3A_87 : i32
      %dma_wait3A = tpu.memref_reshape %arg2 : memref<3200000x11xf32, #tpu.memory_space<hbm>> -> memref<8000x400x11xf32, #tpu.memory_space<hbm>>
      %dma_wait3A_91 = arith.constant 0 : i32
      %dma_wait3A_92 = arith.constant 0 : i32
      %dma_wait3A_93 = tpu.memref_slice %dma_wait3A[%add3A_90, %dma_wait3A_91, %dma_wait3A_92] : memref<8000x400x11xf32, #tpu.memory_space<hbm>> -> memref<1x400x11xf32, #tpu.memory_space<hbm>>
      %dma_wait3A_94 = tpu.memref_squeeze %dma_wait3A_93 : memref<1x400x11xf32, #tpu.memory_space<hbm>> -> memref<400x11xf32, #tpu.memory_space<hbm>>
      %dma_wait3A_95 = tpu.memref_reshape %arg2 : memref<3200000x11xf32, #tpu.memory_space<hbm>> -> memref<8000x400x11xf32, #tpu.memory_space<hbm>>
      %dma_wait3A_96 = arith.constant 0 : i32
      %dma_wait3A_97 = arith.constant 0 : i32
      %dma_wait3A_98 = tpu.memref_slice %dma_wait3A_95[%add3A_90, %dma_wait3A_96, %dma_wait3A_97] : memref<8000x400x11xf32, #tpu.memory_space<hbm>> -> memref<1x400x11xf32, #tpu.memory_space<hbm>>
      %dma_wait3A_99 = tpu.memref_squeeze %dma_wait3A_98 : memref<1x400x11xf32, #tpu.memory_space<hbm>> -> memref<400x11xf32, #tpu.memory_space<hbm>>
      tpu.wait_dma2 semaphore(%arg8 : memref<!tpu.dma_semaphore, #tpu.memory_space<semaphore_mem>>) src(%dma_wait3A_99 : memref<400x11xf32, #tpu.memory_space<hbm>>) dst(%arg4 : memref<400x11xf32, #tpu.memory_space<vmem>>)
      %scan3A_100 = arith.constant 0 : i32
      %scan3A_101 = arith.constant 25 : i32
      %scan3A_102 = arith.addi %scan3A_100, %scan3A_101 : i32
      %scan3A_103 = arith.constant 1 : i32
      %scan3A_104:4 = scf.for %scan3A_141 = %scan3A_100 to %scan3A_102 step %scan3A_103 iter_args(%scan3A_142 = %scan3A_80, %scan3A_143 = %scan3A_81, %scan3A_144 = %scan3A_82, %scan3A_145 = %scan3A_83) -> (vector<16xf32>, vector<16xf32>, vector<16xf32>, vector<16xi32>)  : i32 {
        %mul3A_146 = arith.constant 16 : i32
        %mul3A_147 = arith.muli %scan3A_141, %mul3A_146 : i32
        %add3A_148 = arith.constant 0 : i32
        %add3A_149 = arith.addi %mul3A_147, %add3A_148 : i32
        %add3A_150 = vector.broadcast %add3A_149 : i32 to vector<16xi32>
        %add3A_151 = arith.addi %add3A_150, %iota3A : vector<16xi32>
        %gather3A = tpu.vector_load_idx %arg4[%add3A_151, %broadcast_in_dim3A_35] : memref<400x11xf32, #tpu.memory_space<vmem>>[vector<16xi32>, vector<16xi32>], vector<16xf32>,
        %gather3A_152 = tpu.vector_load_idx %arg4[%add3A_151, %broadcast_in_dim3A_37] : memref<400x11xf32, #tpu.memory_space<vmem>>[vector<16xi32>, vector<16xi32>], vector<16xf32>,
        %gather3A_153 = tpu.vector_load_idx %arg4[%add3A_151, %broadcast_in_dim3A_39] : memref<400x11xf32, #tpu.memory_space<vmem>>[vector<16xi32>, vector<16xi32>], vector<16xf32>,
        %gather3A_154 = tpu.vector_load_idx %arg4[%add3A_151, %broadcast_in_dim3A_41] : memref<400x11xf32, #tpu.memory_space<vmem>>[vector<16xi32>, vector<16xi32>], vector<16xf32>,
        %gather3A_155 = tpu.vector_load_idx %arg4[%add3A_151, %broadcast_in_dim3A_43] : memref<400x11xf32, #tpu.memory_space<vmem>>[vector<16xi32>, vector<16xi32>], vector<16xf32>,
        %gather3A_156 = tpu.vector_load_idx %arg4[%add3A_151, %broadcast_in_dim3A_45] : memref<400x11xf32, #tpu.memory_space<vmem>>[vector<16xi32>, vector<16xi32>], vector<16xf32>,
        %gather3A_157 = tpu.vector_load_idx %arg4[%add3A_151, %broadcast_in_dim3A_47] : memref<400x11xf32, #tpu.memory_space<vmem>>[vector<16xi32>, vector<16xi32>], vector<16xf32>,
        %gather3A_158 = tpu.vector_load_idx %arg4[%add3A_151, %broadcast_in_dim3A_49] : memref<400x11xf32, #tpu.memory_space<vmem>>[vector<16xi32>, vector<16xi32>], vector<16xf32>,
        %gather3A_159 = tpu.vector_load_idx %arg4[%add3A_151, %broadcast_in_dim3A_51] : memref<400x11xf32, #tpu.memory_space<vmem>>[vector<16xi32>, vector<16xi32>], vector<16xf32>,
        %gather3A_160 = tpu.vector_load_idx %arg4[%add3A_151, %broadcast_in_dim3A_53] : memref<400x11xf32, #tpu.memory_space<vmem>>[vector<16xi32>, vector<16xi32>], vector<16xf32>,
        %gather3A_161 = tpu.vector_load_idx %arg4[%add3A_151, %broadcast_in_dim3A_55] : memref<400x11xf32, #tpu.memory_space<vmem>>[vector<16xi32>, vector<16xi32>], vector<16xf32>,
        %convert_element_type3A_162 = arith.fptosi %gather3A_161 : vector<16xf32> to vector<16xi32>
        %mul3A_163 = arith.mulf %gather3A, %gather3A : vector<16xf32>
        %add3A_164 = arith.addf %scan3A_142, %mul3A_163 : vector<16xf32>
        %mul3A_165 = arith.mulf %gather3A_152, %gather3A_152 : vector<16xf32>
        %add3A_166 = arith.addf %add3A_164, %mul3A_165 : vector<16xf32>
        %mul3A_167 = arith.mulf %gather3A_153, %gather3A_153 : vector<16xf32>
        %add3A_168 = arith.addf %add3A_166, %mul3A_167 : vector<16xf32>
        %mul3A_169 = arith.mulf %gather3A_154, %gather3A_154 : vector<16xf32>
        %add3A_170 = arith.addf %scan3A_143, %mul3A_169 : vector<16xf32>
        %mul3A_171 = arith.mulf %gather3A_155, %gather3A_155 : vector<16xf32>
        %add3A_172 = arith.addf %add3A_170, %mul3A_171 : vector<16xf32>
        %mul3A_173 = arith.mulf %gather3A_156, %gather3A_156 : vector<16xf32>
        %add3A_174 = arith.addf %add3A_172, %mul3A_173 : vector<16xf32>
        %add3A_175 = arith.addf %scan3A_144, %gather3A_160 : vector<16xf32>
        %max3A = arith.maxsi %scan3A_145, %convert_element_type3A_162 : vector<16xi32>
        %mul3A_176 = arith.constant 4 : i32
        %mul3A_177 = vector.broadcast %mul3A_176 : i32 to vector<16xi32>
        %mul3A_178 = arith.muli %mul3A_177, %convert_element_type3A_162 : vector<16xi32>
        %mul3A_179 = arith.mulf %gather3A_160, %gather3A_154 : vector<16xf32>
        tpu.vector_store_idx %arg6[%mul3A_178], %mul3A_179 {add = true} : memref<4096xf32, #tpu.memory_space<vmem>>[vector<16xi32>], vector<16xf32>,
        %add3A_180 = arith.constant 1 : i32
        %add3A_181 = vector.broadcast %add3A_180 : i32 to vector<16xi32>
        %add3A_182 = arith.addi %mul3A_178, %add3A_181 : vector<16xi32>
        %mul3A_183 = arith.mulf %gather3A_160, %gather3A_155 : vector<16xf32>
        tpu.vector_store_idx %arg6[%add3A_182], %mul3A_183 {add = true} : memref<4096xf32, #tpu.memory_space<vmem>>[vector<16xi32>], vector<16xf32>,
        %add3A_184 = arith.constant 2 : i32
        %add3A_185 = vector.broadcast %add3A_184 : i32 to vector<16xi32>
        %add3A_186 = arith.addi %mul3A_178, %add3A_185 : vector<16xi32>
        %mul3A_187 = arith.mulf %gather3A_160, %gather3A_156 : vector<16xf32>
        tpu.vector_store_idx %arg6[%add3A_186], %mul3A_187 {add = true} : memref<4096xf32, #tpu.memory_space<vmem>>[vector<16xi32>], vector<16xf32>,
        %mul3A_188 = arith.constant 5.000000e-01 : f32
        %mul3A_189 = vector.broadcast %mul3A_188 : f32 to vector<16xf32>
        %mul3A_190 = arith.mulf %mul3A_189, %gather3A_160 : vector<16xf32>
        %mul3A_191 = arith.mulf %gather3A_154, %gather3A_157 : vector<16xf32>
        %mul3A_192 = arith.mulf %gather3A_155, %gather3A_158 : vector<16xf32>
        %add3A_193 = arith.addf %mul3A_191, %mul3A_192 : vector<16xf32>
        %mul3A_194 = arith.mulf %gather3A_156, %gather3A_159 : vector<16xf32>
        %add3A_195 = arith.addf %add3A_193, %mul3A_194 : vector<16xf32>
        %mul3A_196 = arith.mulf %mul3A_190, %add3A_195 : vector<16xf32>
        %add3A_197 = arith.constant 3 : i32
        %add3A_198 = vector.broadcast %add3A_197 : i32 to vector<16xi32>
        %add3A_199 = arith.addi %mul3A_178, %add3A_198 : vector<16xi32>
        tpu.vector_store_idx %arg6[%add3A_199], %mul3A_196 {add = true} : memref<4096xf32, #tpu.memory_space<vmem>>[vector<16xi32>], vector<16xf32>,
        scf.yield %add3A_168, %add3A_174, %add3A_175, %max3A : vector<16xf32>, vector<16xf32>, vector<16xf32>, vector<16xi32>
      }
      %scan3A_105 = arith.constant 25 : i32
      %add3A_106 = arith.constant 2 : i32
      %add3A_107 = arith.addi %add3A_87, %add3A_106 : i32
      %lt3A = arith.constant 250 : i32
      %lt3A_108 = arith.cmpi slt, %add3A_107, %lt3A : i32
      %convert_element_type3A_109 = arith.extui %lt3A_108 : i1 to i32
      %cond3A = arith.constant 0 : i32
      %cond3A_110 = arith.cmpi ne, %convert_element_type3A_109, %cond3A : i32
      scf.if %cond3A_110 {
        %add3A_141 = arith.constant 2 : i32
        %add3A_142 = arith.addi %add3A_87, %add3A_141 : i32
        %mul3A_143 = arith.constant 250 : i32
        %mul3A_144 = arith.muli %add3A, %mul3A_143 : i32
        %add3A_145 = arith.addi %mul3A_144, %add3A_142 : i32
        %dma_start3A_146 = tpu.memref_reshape %arg2 : memref<3200000x11xf32, #tpu.memory_space<hbm>> -> memref<8000x400x11xf32, #tpu.memory_space<hbm>>
        %dma_start3A_147 = arith.constant 0 : i32
        %dma_start3A_148 = arith.constant 0 : i32
        %dma_start3A_149 = tpu.memref_slice %dma_start3A_146[%add3A_145, %dma_start3A_147, %dma_start3A_148] : memref<8000x400x11xf32, #tpu.memory_space<hbm>> -> memref<1x400x11xf32, #tpu.memory_space<hbm>>
        %dma_start3A_150 = tpu.memref_squeeze %dma_start3A_149 : memref<1x400x11xf32, #tpu.memory_space<hbm>> -> memref<400x11xf32, #tpu.memory_space<hbm>>
        %dma_start3A_151 = tpu.memref_reshape %arg2 : memref<3200000x11xf32, #tpu.memory_space<hbm>> -> memref<8000x400x11xf32, #tpu.memory_space<hbm>>
        %dma_start3A_152 = arith.constant 0 : i32
        %dma_start3A_153 = arith.constant 0 : i32
        %dma_start3A_154 = tpu.memref_slice %dma_start3A_151[%add3A_145, %dma_start3A_152, %dma_start3A_153] : memref<8000x400x11xf32, #tpu.memory_space<hbm>> -> memref<1x400x11xf32, #tpu.memory_space<hbm>>
        %dma_start3A_155 = tpu.memref_squeeze %dma_start3A_154 : memref<1x400x11xf32, #tpu.memory_space<hbm>> -> memref<400x11xf32, #tpu.memory_space<hbm>>
        tpu.enqueue_dma source(%dma_start3A_155 : memref<400x11xf32, #tpu.memory_space<hbm>>) target(%arg4 : memref<400x11xf32, #tpu.memory_space<vmem>>) target_semaphore(%arg8 : memref<!tpu.dma_semaphore, #tpu.memory_space<semaphore_mem>>)
      } else {
      }
      %mul3A_111 = arith.constant 2 : i32
      %mul3A_112 = arith.muli %mul3A_111, %scan3A_79 : i32
      %add3A_113 = arith.constant 1 : i32
      %add3A_114 = arith.addi %mul3A_112, %add3A_113 : i32
      %mul3A_115 = arith.constant 250 : i32
      %mul3A_116 = arith.muli %add3A, %mul3A_115 : i32
      %add3A_117 = arith.addi %mul3A_116, %add3A_114 : i32
      %dma_wait3A_118 = tpu.memref_reshape %arg2 : memref<3200000x11xf32, #tpu.memory_space<hbm>> -> memref<8000x400x11xf32, #tpu.memory_space<hbm>>
      %dma_wait3A_119 = arith.constant 0 : i32
      %dma_wait3A_120 = arith.constant 0 : i32
      %dma_wait3A_121 = tpu.memref_slice %dma_wait3A_118[%add3A_117, %dma_wait3A_119, %dma_wait3A_120] : memref<8000x400x11xf32, #tpu.memory_space<hbm>> -> memref<1x400x11xf32, #tpu.memory_space<hbm>>
      %dma_wait3A_122 = tpu.memref_squeeze %dma_wait3A_121 : memref<1x400x11xf32, #tpu.memory_space<hbm>> -> memref<400x11xf32, #tpu.memory_space<hbm>>
      %dma_wait3A_123 = tpu.memref_reshape %arg2 : memref<3200000x11xf32, #tpu.memory_space<hbm>> -> memref<8000x400x11xf32, #tpu.memory_space<hbm>>
      %dma_wait3A_124 = arith.constant 0 : i32
      %dma_wait3A_125 = arith.constant 0 : i32
      %dma_wait3A_126 = tpu.memref_slice %dma_wait3A_123[%add3A_117, %dma_wait3A_124, %dma_wait3A_125] : memref<8000x400x11xf32, #tpu.memory_space<hbm>> -> memref<1x400x11xf32, #tpu.memory_space<hbm>>
      %dma_wait3A_127 = tpu.memref_squeeze %dma_wait3A_126 : memref<1x400x11xf32, #tpu.memory_space<hbm>> -> memref<400x11xf32, #tpu.memory_space<hbm>>
      tpu.wait_dma2 semaphore(%arg9 : memref<!tpu.dma_semaphore, #tpu.memory_space<semaphore_mem>>) src(%dma_wait3A_127 : memref<400x11xf32, #tpu.memory_space<hbm>>) dst(%arg5 : memref<400x11xf32, #tpu.memory_space<vmem>>)
      %scan3A_128 = arith.constant 0 : i32
      %scan3A_129 = arith.constant 25 : i32
      %scan3A_130 = arith.addi %scan3A_128, %scan3A_129 : i32
      %scan3A_131 = arith.constant 1 : i32
      %scan3A_132:4 = scf.for %scan3A_141 = %scan3A_128 to %scan3A_130 step %scan3A_131 iter_args(%scan3A_142 = %scan3A_104#0, %scan3A_143 = %scan3A_104#1, %scan3A_144 = %scan3A_104#2, %scan3A_145 = %scan3A_104#3) -> (vector<16xf32>, vector<16xf32>, vector<16xf32>, vector<16xi32>)  : i32 {
        %mul3A_146 = arith.constant 16 : i32
        %mul3A_147 = arith.muli %scan3A_141, %mul3A_146 : i32
        %add3A_148 = arith.constant 0 : i32
        %add3A_149 = arith.addi %mul3A_147, %add3A_148 : i32
        %add3A_150 = vector.broadcast %add3A_149 : i32 to vector<16xi32>
        %add3A_151 = arith.addi %add3A_150, %iota3A : vector<16xi32>
        %gather3A = tpu.vector_load_idx %arg5[%add3A_151, %broadcast_in_dim3A_35] : memref<400x11xf32, #tpu.memory_space<vmem>>[vector<16xi32>, vector<16xi32>], vector<16xf32>,
        %gather3A_152 = tpu.vector_load_idx %arg5[%add3A_151, %broadcast_in_dim3A_37] : memref<400x11xf32, #tpu.memory_space<vmem>>[vector<16xi32>, vector<16xi32>], vector<16xf32>,
        %gather3A_153 = tpu.vector_load_idx %arg5[%add3A_151, %broadcast_in_dim3A_39] : memref<400x11xf32, #tpu.memory_space<vmem>>[vector<16xi32>, vector<16xi32>], vector<16xf32>,
        %gather3A_154 = tpu.vector_load_idx %arg5[%add3A_151, %broadcast_in_dim3A_41] : memref<400x11xf32, #tpu.memory_space<vmem>>[vector<16xi32>, vector<16xi32>], vector<16xf32>,
        %gather3A_155 = tpu.vector_load_idx %arg5[%add3A_151, %broadcast_in_dim3A_43] : memref<400x11xf32, #tpu.memory_space<vmem>>[vector<16xi32>, vector<16xi32>], vector<16xf32>,
        %gather3A_156 = tpu.vector_load_idx %arg5[%add3A_151, %broadcast_in_dim3A_45] : memref<400x11xf32, #tpu.memory_space<vmem>>[vector<16xi32>, vector<16xi32>], vector<16xf32>,
        %gather3A_157 = tpu.vector_load_idx %arg5[%add3A_151, %broadcast_in_dim3A_47] : memref<400x11xf32, #tpu.memory_space<vmem>>[vector<16xi32>, vector<16xi32>], vector<16xf32>,
        %gather3A_158 = tpu.vector_load_idx %arg5[%add3A_151, %broadcast_in_dim3A_49] : memref<400x11xf32, #tpu.memory_space<vmem>>[vector<16xi32>, vector<16xi32>], vector<16xf32>,
        %gather3A_159 = tpu.vector_load_idx %arg5[%add3A_151, %broadcast_in_dim3A_51] : memref<400x11xf32, #tpu.memory_space<vmem>>[vector<16xi32>, vector<16xi32>], vector<16xf32>,
        %gather3A_160 = tpu.vector_load_idx %arg5[%add3A_151, %broadcast_in_dim3A_53] : memref<400x11xf32, #tpu.memory_space<vmem>>[vector<16xi32>, vector<16xi32>], vector<16xf32>,
        %gather3A_161 = tpu.vector_load_idx %arg5[%add3A_151, %broadcast_in_dim3A_55] : memref<400x11xf32, #tpu.memory_space<vmem>>[vector<16xi32>, vector<16xi32>], vector<16xf32>,
        %convert_element_type3A_162 = arith.fptosi %gather3A_161 : vector<16xf32> to vector<16xi32>
        %mul3A_163 = arith.mulf %gather3A, %gather3A : vector<16xf32>
        %add3A_164 = arith.addf %scan3A_142, %mul3A_163 : vector<16xf32>
        %mul3A_165 = arith.mulf %gather3A_152, %gather3A_152 : vector<16xf32>
        %add3A_166 = arith.addf %add3A_164, %mul3A_165 : vector<16xf32>
        %mul3A_167 = arith.mulf %gather3A_153, %gather3A_153 : vector<16xf32>
        %add3A_168 = arith.addf %add3A_166, %mul3A_167 : vector<16xf32>
        %mul3A_169 = arith.mulf %gather3A_154, %gather3A_154 : vector<16xf32>
        %add3A_170 = arith.addf %scan3A_143, %mul3A_169 : vector<16xf32>
        %mul3A_171 = arith.mulf %gather3A_155, %gather3A_155 : vector<16xf32>
        %add3A_172 = arith.addf %add3A_170, %mul3A_171 : vector<16xf32>
        %mul3A_173 = arith.mulf %gather3A_156, %gather3A_156 : vector<16xf32>
        %add3A_174 = arith.addf %add3A_172, %mul3A_173 : vector<16xf32>
        %add3A_175 = arith.addf %scan3A_144, %gather3A_160 : vector<16xf32>
        %max3A = arith.maxsi %scan3A_145, %convert_element_type3A_162 : vector<16xi32>
        %mul3A_176 = arith.constant 4 : i32
        %mul3A_177 = vector.broadcast %mul3A_176 : i32 to vector<16xi32>
        %mul3A_178 = arith.muli %mul3A_177, %convert_element_type3A_162 : vector<16xi32>
        %mul3A_179 = arith.mulf %gather3A_160, %gather3A_154 : vector<16xf32>
        tpu.vector_store_idx %arg6[%mul3A_178], %mul3A_179 {add = true} : memref<4096xf32, #tpu.memory_space<vmem>>[vector<16xi32>], vector<16xf32>,
        %add3A_180 = arith.constant 1 : i32
        %add3A_181 = vector.broadcast %add3A_180 : i32 to vector<16xi32>
        %add3A_182 = arith.addi %mul3A_178, %add3A_181 : vector<16xi32>
        %mul3A_183 = arith.mulf %gather3A_160, %gather3A_155 : vector<16xf32>
        tpu.vector_store_idx %arg6[%add3A_182], %mul3A_183 {add = true} : memref<4096xf32, #tpu.memory_space<vmem>>[vector<16xi32>], vector<16xf32>,
        %add3A_184 = arith.constant 2 : i32
        %add3A_185 = vector.broadcast %add3A_184 : i32 to vector<16xi32>
        %add3A_186 = arith.addi %mul3A_178, %add3A_185 : vector<16xi32>
        %mul3A_187 = arith.mulf %gather3A_160, %gather3A_156 : vector<16xf32>
        tpu.vector_store_idx %arg6[%add3A_186], %mul3A_187 {add = true} : memref<4096xf32, #tpu.memory_space<vmem>>[vector<16xi32>], vector<16xf32>,
        %mul3A_188 = arith.constant 5.000000e-01 : f32
        %mul3A_189 = vector.broadcast %mul3A_188 : f32 to vector<16xf32>
        %mul3A_190 = arith.mulf %mul3A_189, %gather3A_160 : vector<16xf32>
        %mul3A_191 = arith.mulf %gather3A_154, %gather3A_157 : vector<16xf32>
        %mul3A_192 = arith.mulf %gather3A_155, %gather3A_158 : vector<16xf32>
        %add3A_193 = arith.addf %mul3A_191, %mul3A_192 : vector<16xf32>
        %mul3A_194 = arith.mulf %gather3A_156, %gather3A_159 : vector<16xf32>
        %add3A_195 = arith.addf %add3A_193, %mul3A_194 : vector<16xf32>
        %mul3A_196 = arith.mulf %mul3A_190, %add3A_195 : vector<16xf32>
        %add3A_197 = arith.constant 3 : i32
        %add3A_198 = vector.broadcast %add3A_197 : i32 to vector<16xi32>
        %add3A_199 = arith.addi %mul3A_178, %add3A_198 : vector<16xi32>
        tpu.vector_store_idx %arg6[%add3A_199], %mul3A_196 {add = true} : memref<4096xf32, #tpu.memory_space<vmem>>[vector<16xi32>], vector<16xf32>,
        scf.yield %add3A_168, %add3A_174, %add3A_175, %max3A : vector<16xf32>, vector<16xf32>, vector<16xf32>, vector<16xi32>
      }
      %scan3A_133 = arith.constant 25 : i32
      %add3A_134 = arith.constant 2 : i32
      %add3A_135 = arith.addi %add3A_114, %add3A_134 : i32
      %lt3A_136 = arith.constant 250 : i32
      %lt3A_137 = arith.cmpi slt, %add3A_135, %lt3A_136 : i32
      %convert_element_type3A_138 = arith.extui %lt3A_137 : i1 to i32
      %cond3A_139 = arith.constant 0 : i32
      %cond3A_140 = arith.cmpi ne, %convert_element_type3A_138, %cond3A_139 : i32
      scf.if %cond3A_140 {
        %add3A_141 = arith.constant 2 : i32
        %add3A_142 = arith.addi %add3A_114, %add3A_141 : i32
        %mul3A_143 = arith.constant 250 : i32
        %mul3A_144 = arith.muli %add3A, %mul3A_143 : i32
        %add3A_145 = arith.addi %mul3A_144, %add3A_142 : i32
        %dma_start3A_146 = tpu.memref_reshape %arg2 : memref<3200000x11xf32, #tpu.memory_space<hbm>> -> memref<8000x400x11xf32, #tpu.memory_space<hbm>>
        %dma_start3A_147 = arith.constant 0 : i32
        %dma_start3A_148 = arith.constant 0 : i32
        %dma_start3A_149 = tpu.memref_slice %dma_start3A_146[%add3A_145, %dma_start3A_147, %dma_start3A_148] : memref<8000x400x11xf32, #tpu.memory_space<hbm>> -> memref<1x400x11xf32, #tpu.memory_space<hbm>>
        %dma_start3A_150 = tpu.memref_squeeze %dma_start3A_149 : memref<1x400x11xf32, #tpu.memory_space<hbm>> -> memref<400x11xf32, #tpu.memory_space<hbm>>
        %dma_start3A_151 = tpu.memref_reshape %arg2 : memref<3200000x11xf32, #tpu.memory_space<hbm>> -> memref<8000x400x11xf32, #tpu.memory_space<hbm>>
        %dma_start3A_152 = arith.constant 0 : i32
        %dma_start3A_153 = arith.constant 0 : i32
        %dma_start3A_154 = tpu.memref_slice %dma_start3A_151[%add3A_145, %dma_start3A_152, %dma_start3A_153] : memref<8000x400x11xf32, #tpu.memory_space<hbm>> -> memref<1x400x11xf32, #tpu.memory_space<hbm>>
        %dma_start3A_155 = tpu.memref_squeeze %dma_start3A_154 : memref<1x400x11xf32, #tpu.memory_space<hbm>> -> memref<400x11xf32, #tpu.memory_space<hbm>>
        tpu.enqueue_dma source(%dma_start3A_155 : memref<400x11xf32, #tpu.memory_space<hbm>>) target(%arg5 : memref<400x11xf32, #tpu.memory_space<vmem>>) target_semaphore(%arg9 : memref<!tpu.dma_semaphore, #tpu.memory_space<semaphore_mem>>)
      } else {
      }
      scf.yield %scan3A_132#0, %scan3A_132#1, %scan3A_132#2, %scan3A_132#3 : vector<16xf32>, vector<16xf32>, vector<16xf32>, vector<16xi32>
    }
    %scan3A_63 = arith.constant 125 : i32
    %swap3A = arith.constant 0 : index
    %swap3A_64 = tpu.vector_load %arg7[%swap3A] {strides = array<i32>} : memref<128xf32, #tpu.memory_space<vmem>>, vector<16xf32>,
    tpu.vector_store %arg7[%swap3A], %scan3A_62#0 {strides = array<i32>} : memref<128xf32, #tpu.memory_space<vmem>>, vector<16xf32>,
    %swap3A_65 = arith.constant 16 : index
    %swap3A_66 = tpu.vector_load %arg7[%swap3A_65] {strides = array<i32>} : memref<128xf32, #tpu.memory_space<vmem>>, vector<16xf32>,
    tpu.vector_store %arg7[%swap3A_65], %scan3A_62#1 {strides = array<i32>} : memref<128xf32, #tpu.memory_space<vmem>>, vector<16xf32>,
    %swap3A_67 = arith.constant 32 : index
    %swap3A_68 = tpu.vector_load %arg7[%swap3A_67] {strides = array<i32>} : memref<128xf32, #tpu.memory_space<vmem>>, vector<16xf32>,
    tpu.vector_store %arg7[%swap3A_67], %scan3A_62#2 {strides = array<i32>} : memref<128xf32, #tpu.memory_space<vmem>>, vector<16xf32>,
    %convert_element_type3A = arith.sitofp %scan3A_62#3 : vector<16xi32> to vector<16xf32>
    %swap3A_69 = arith.constant 48 : index
    %swap3A_70 = tpu.vector_load %arg7[%swap3A_69] {strides = array<i32>} : memref<128xf32, #tpu.memory_space<vmem>>, vector<16xf32>,
    tpu.vector_store %arg7[%swap3A_69], %convert_element_type3A {strides = array<i32>} : memref<128xf32, #tpu.memory_space<vmem>>, vector<16xf32>,
    %swap3A_71 = arith.constant 64 : index
    %swap3A_72 = tpu.vector_load %arg7[%swap3A_71] {strides = array<i32>} : memref<128xf32, #tpu.memory_space<vmem>>, vector<16xf32>,
    tpu.vector_store %arg7[%swap3A_71], %broadcast_in_dim3A_1 {strides = array<i32>} : memref<128xf32, #tpu.memory_space<vmem>>, vector<16xf32>,
    %swap3A_73 = arith.constant 80 : index
    %swap3A_74 = tpu.vector_load %arg7[%swap3A_73] {strides = array<i32>} : memref<128xf32, #tpu.memory_space<vmem>>, vector<16xf32>,
    tpu.vector_store %arg7[%swap3A_73], %broadcast_in_dim3A_1 {strides = array<i32>} : memref<128xf32, #tpu.memory_space<vmem>>, vector<16xf32>,
    %swap3A_75 = arith.constant 96 : index
    %swap3A_76 = tpu.vector_load %arg7[%swap3A_75] {strides = array<i32>} : memref<128xf32, #tpu.memory_space<vmem>>, vector<16xf32>,
    tpu.vector_store %arg7[%swap3A_75], %broadcast_in_dim3A_1 {strides = array<i32>} : memref<128xf32, #tpu.memory_space<vmem>>, vector<16xf32>,
    %swap3A_77 = arith.constant 112 : index
    %swap3A_78 = tpu.vector_load %arg7[%swap3A_77] {strides = array<i32>} : memref<128xf32, #tpu.memory_space<vmem>>, vector<16xf32>,
    tpu.vector_store %arg7[%swap3A_77], %broadcast_in_dim3A_1 {strides = array<i32>} : memref<128xf32, #tpu.memory_space<vmem>>, vector<16xf32>,
    "tpu.region"() ({
      %run_scoped3A = tpu.sem_alloc : memref<!tpu.dma_semaphore, #tpu.memory_space<semaphore_mem>>
      %dma_start3A_79 = arith.constant 0 : i32
      %dma_start3A_80 = tpu.memref_slice %arg3[%add3A, %dma_start3A_79] : memref<32x4224xf32, #tpu.memory_space<hbm>> -> memref<1x4096xf32, #tpu.memory_space<hbm>>
      %dma_start3A_81 = tpu.memref_squeeze %dma_start3A_80 : memref<1x4096xf32, #tpu.memory_space<hbm>> -> memref<4096xf32, #tpu.memory_space<hbm>>
      %dma_start3A_82 = arith.constant 0 : i32
      %dma_start3A_83 = tpu.memref_slice %arg3[%add3A, %dma_start3A_82] : memref<32x4224xf32, #tpu.memory_space<hbm>> -> memref<1x4096xf32, #tpu.memory_space<hbm>>
      %dma_start3A_84 = tpu.memref_squeeze %dma_start3A_83 : memref<1x4096xf32, #tpu.memory_space<hbm>> -> memref<4096xf32, #tpu.memory_space<hbm>>
      tpu.enqueue_dma source(%arg6 : memref<4096xf32, #tpu.memory_space<vmem>>) target(%dma_start3A_84 : memref<4096xf32, #tpu.memory_space<hbm>>) target_semaphore(%run_scoped3A : memref<!tpu.dma_semaphore, #tpu.memory_space<semaphore_mem>>)
      %dma_wait3A = arith.constant 0 : i32
      %dma_wait3A_85 = tpu.memref_slice %arg3[%add3A, %dma_wait3A] : memref<32x4224xf32, #tpu.memory_space<hbm>> -> memref<1x4096xf32, #tpu.memory_space<hbm>>
      %dma_wait3A_86 = tpu.memref_squeeze %dma_wait3A_85 : memref<1x4096xf32, #tpu.memory_space<hbm>> -> memref<4096xf32, #tpu.memory_space<hbm>>
      %dma_wait3A_87 = arith.constant 0 : i32
      %dma_wait3A_88 = tpu.memref_slice %arg3[%add3A, %dma_wait3A_87] : memref<32x4224xf32, #tpu.memory_space<hbm>> -> memref<1x4096xf32, #tpu.memory_space<hbm>>
      %dma_wait3A_89 = tpu.memref_squeeze %dma_wait3A_88 : memref<1x4096xf32, #tpu.memory_space<hbm>> -> memref<4096xf32, #tpu.memory_space<hbm>>
      tpu.wait_dma2 semaphore(%run_scoped3A : memref<!tpu.dma_semaphore, #tpu.memory_space<semaphore_mem>>) src(%arg6 : memref<4096xf32, #tpu.memory_space<vmem>>) dst(%dma_wait3A_89 : memref<4096xf32, #tpu.memory_space<hbm>>)
      tpu.yield
    }) : () -> ()
    "tpu.region"() ({
      %run_scoped3A = tpu.sem_alloc : memref<!tpu.dma_semaphore, #tpu.memory_space<semaphore_mem>>
      %dma_start3A_79 = arith.constant 4096 : i32
      %dma_start3A_80 = tpu.memref_slice %arg3[%add3A, %dma_start3A_79] : memref<32x4224xf32, #tpu.memory_space<hbm>> -> memref<1x128xf32, #tpu.memory_space<hbm>>
      %dma_start3A_81 = tpu.memref_squeeze %dma_start3A_80 : memref<1x128xf32, #tpu.memory_space<hbm>> -> memref<128xf32, #tpu.memory_space<hbm>>
      %dma_start3A_82 = arith.constant 4096 : i32
      %dma_start3A_83 = tpu.memref_slice %arg3[%add3A, %dma_start3A_82] : memref<32x4224xf32, #tpu.memory_space<hbm>> -> memref<1x128xf32, #tpu.memory_space<hbm>>
      %dma_start3A_84 = tpu.memref_squeeze %dma_start3A_83 : memref<1x128xf32, #tpu.memory_space<hbm>> -> memref<128xf32, #tpu.memory_space<hbm>>
      tpu.enqueue_dma source(%arg7 : memref<128xf32, #tpu.memory_space<vmem>>) target(%dma_start3A_84 : memref<128xf32, #tpu.memory_space<hbm>>) target_semaphore(%run_scoped3A : memref<!tpu.dma_semaphore, #tpu.memory_space<semaphore_mem>>)
      %dma_wait3A = arith.constant 4096 : i32
      %dma_wait3A_85 = tpu.memref_slice %arg3[%add3A, %dma_wait3A] : memref<32x4224xf32, #tpu.memory_space<hbm>> -> memref<1x128xf32, #tpu.memory_space<hbm>>
      %dma_wait3A_86 = tpu.memref_squeeze %dma_wait3A_85 : memref<1x128xf32, #tpu.memory_space<hbm>> -> memref<128xf32, #tpu.memory_space<hbm>>
      %dma_wait3A_87 = arith.constant 4096 : i32
      %dma_wait3A_88 = tpu.memref_slice %arg3[%add3A, %dma_wait3A_87] : memref<32x4224xf32, #tpu.memory_space<hbm>> -> memref<1x128xf32, #tpu.memory_space<hbm>>
      %dma_wait3A_89 = tpu.memref_squeeze %dma_wait3A_88 : memref<1x128xf32, #tpu.memory_space<hbm>> -> memref<128xf32, #tpu.memory_space<hbm>>
      tpu.wait_dma2 semaphore(%run_scoped3A : memref<!tpu.dma_semaphore, #tpu.memory_space<semaphore_mem>>) src(%arg7 : memref<128xf32, #tpu.memory_space<vmem>>) dst(%dma_wait3A_89 : memref<128xf32, #tpu.memory_space<hbm>>)
      tpu.yield
    }) : () -> ()
    return
  }
}

module attributes {stable_mosaic.version = 14 : i64} {
  func.func @tc_body(%arg0: memref<64x4224xf32, #tpu.memory_space<vmem>>, %arg1: memref<1x128xf32, #tpu.memory_space<vmem>>) attributes {dimension_semantics = [], scalar_prefetch = 0 : i64, scratch_operands = 0 : i64, tpu.core_type = #tpu.core_type<tc>} {
    %get3A = arith.constant 0 : index
    %get3A_0 = arith.constant 0 : index
    %get3A_1 = vector.load %arg0[%get3A, %get3A_0] : memref<64x4224xf32, #tpu.memory_space<vmem>>, vector<64x4224xf32>
    %reduce_sum3A = arith.constant dense<0.000000e+00> : vector<4224xf32>
    %reduce_sum3A_2 = vector.multi_reduction <add>, %get3A_1, %reduce_sum3A [0] : vector<64x4224xf32> to vector<4224xf32>
    %broadcast_in_dim3A = vector.shape_cast %reduce_sum3A_2 : vector<4224xf32> to vector<1x4224xf32>
    %reduce_max3A = arith.constant dense<0xFF800000> : vector<4224xf32>
    %reduce_max3A_3 = vector.multi_reduction <maximumf>, %get3A_1, %reduce_max3A [0] : vector<64x4224xf32> to vector<4224xf32>
    %broadcast_in_dim3A_4 = vector.shape_cast %reduce_max3A_3 : vector<4224xf32> to vector<1x4224xf32>
    %iota3A = tpu.iota {dimensions = array<i32: 1>} : vector<1x4224xi32>
    %lt3A = arith.constant 4096 : i32
    %lt3A_5 = vector.broadcast %lt3A : i32 to vector<1x4224xi32>
    %lt3A_6 = arith.cmpi slt, %iota3A, %lt3A_5 : vector<1x4224xi32>
    %jit3A = arith.constant 4 : i32
    %eq3A = arith.constant 0 : i32
    %eq3A_7 = arith.cmpi eq, %jit3A, %eq3A : i32
    %jit3A_8 = arith.constant 1 : i32
    %select_n3A = arith.select %eq3A_7, %jit3A_8, %jit3A : i32
    %rem3A = vector.broadcast %select_n3A : i32 to vector<1x4224xi32>
    %rem3A_9 = arith.remsi %iota3A, %rem3A : vector<1x4224xi32>
    %ne3A = arith.constant 0 : i32
    %ne3A_10 = vector.broadcast %ne3A : i32 to vector<1x4224xi32>
    %ne3A_11 = arith.cmpi ne, %rem3A_9, %ne3A_10 : vector<1x4224xi32>
    %lt3A_12 = arith.constant 0 : i32
    %lt3A_13 = vector.broadcast %lt3A_12 : i32 to vector<1x4224xi32>
    %lt3A_14 = arith.cmpi slt, %rem3A_9, %lt3A_13 : vector<1x4224xi32>
    %lt3A_15 = arith.constant 0 : i32
    %lt3A_16 = arith.cmpi slt, %select_n3A, %lt3A_15 : i32
    %ne3A_17 = vector.broadcast %lt3A_16 : i1 to vector<1x4224xi1>
    %ne3A_18 = vector.broadcast %ne3A_17 : vector<1x4224xi1> to vector<1x4224xi1>
    %ne3A_19 = arith.xori %lt3A_14, %ne3A_18 : vector<1x4224xi1>
    %and3A = arith.andi %ne3A_19, %ne3A_11 : vector<1x4224xi1>
    %add3A = vector.broadcast %select_n3A : i32 to vector<1x4224xi32>
    %add3A_20 = arith.addi %rem3A_9, %add3A : vector<1x4224xi32>
    %select_n3A_21 = arith.select %and3A, %add3A_20, %rem3A_9 : vector<1x4224xi1>, vector<1x4224xi32>
    %mul3A = arith.mulf %broadcast_in_dim3A, %broadcast_in_dim3A : vector<1x4224xf32>
    %lt3A_22 = arith.constant 3 : i32
    %lt3A_23 = vector.broadcast %lt3A_22 : i32 to vector<1x4224xi32>
    %lt3A_24 = arith.cmpi slt, %select_n3A_21, %lt3A_23 : vector<1x4224xi32>
    %and3A_25 = arith.andi %lt3A_6, %lt3A_24 : vector<1x4224xi1>
    %jit3A_26 = arith.constant 0.000000e+00 : f32
    %broadcast_in_dim3A_27 = vector.broadcast %jit3A_26 : f32 to vector<1x4224xf32>
    %select_n3A_28 = arith.select %and3A_25, %mul3A, %broadcast_in_dim3A_27 : vector<1x4224xi1>, vector<1x4224xf32>
    %reduce_sum3A_29 = vector.shape_cast %select_n3A_28 : vector<1x4224xf32> to vector<1x1x4224xf32>
    %reduce_sum3A_30 = arith.constant dense<0.000000e+00> : vector<1xf32>
    %reduce_sum3A_31 = vector.multi_reduction <add>, %reduce_sum3A_29, %reduce_sum3A_30 [1, 2] : vector<1x1x4224xf32> to vector<1xf32>
    %reduce_sum3A_32 = vector.shape_cast %reduce_sum3A_31 : vector<1xf32> to vector<1x1x1xf32>
    %reduce_sum3A_33 = vector.extract %reduce_sum3A_32[0, 0, 0] : f32 from vector<1x1x1xf32>
    %eq3A_34 = arith.constant 3 : i32
    %eq3A_35 = vector.broadcast %eq3A_34 : i32 to vector<1x4224xi32>
    %eq3A_36 = arith.cmpi eq, %select_n3A_21, %eq3A_35 : vector<1x4224xi32>
    %and3A_37 = arith.andi %lt3A_6, %eq3A_36 : vector<1x4224xi1>
    %jit3A_38 = arith.constant 0.000000e+00 : f32
    %broadcast_in_dim3A_39 = vector.broadcast %jit3A_38 : f32 to vector<1x4224xf32>
    %select_n3A_40 = arith.select %and3A_37, %mul3A, %broadcast_in_dim3A_39 : vector<1x4224xi1>, vector<1x4224xf32>
    %reduce_sum3A_41 = vector.shape_cast %select_n3A_40 : vector<1x4224xf32> to vector<1x1x4224xf32>
    %reduce_sum3A_42 = arith.constant dense<0.000000e+00> : vector<1xf32>
    %reduce_sum3A_43 = vector.multi_reduction <add>, %reduce_sum3A_41, %reduce_sum3A_42 [1, 2] : vector<1x1x4224xf32> to vector<1xf32>
    %reduce_sum3A_44 = vector.shape_cast %reduce_sum3A_43 : vector<1xf32> to vector<1x1x1xf32>
    %reduce_sum3A_45 = vector.extract %reduce_sum3A_44[0, 0, 0] : f32 from vector<1x1x1xf32>
    %ge3A = arith.constant 4096 : i32
    %ge3A_46 = vector.broadcast %ge3A : i32 to vector<1x4224xi32>
    %ge3A_47 = arith.cmpi sge, %iota3A, %ge3A_46 : vector<1x4224xi32>
    %lt3A_48 = arith.constant 4112 : i32
    %lt3A_49 = vector.broadcast %lt3A_48 : i32 to vector<1x4224xi32>
    %lt3A_50 = arith.cmpi slt, %iota3A, %lt3A_49 : vector<1x4224xi32>
    %and3A_51 = arith.andi %ge3A_47, %lt3A_50 : vector<1x4224xi1>
    %jit3A_52 = arith.constant 0.000000e+00 : f32
    %broadcast_in_dim3A_53 = vector.broadcast %jit3A_52 : f32 to vector<1x4224xf32>
    %select_n3A_54 = arith.select %and3A_51, %broadcast_in_dim3A, %broadcast_in_dim3A_53 : vector<1x4224xi1>, vector<1x4224xf32>
    %reduce_sum3A_55 = vector.shape_cast %select_n3A_54 : vector<1x4224xf32> to vector<1x1x4224xf32>
    %reduce_sum3A_56 = arith.constant dense<0.000000e+00> : vector<1xf32>
    %reduce_sum3A_57 = vector.multi_reduction <add>, %reduce_sum3A_55, %reduce_sum3A_56 [1, 2] : vector<1x1x4224xf32> to vector<1xf32>
    %reduce_sum3A_58 = vector.shape_cast %reduce_sum3A_57 : vector<1xf32> to vector<1x1x1xf32>
    %reduce_sum3A_59 = vector.extract %reduce_sum3A_58[0, 0, 0] : f32 from vector<1x1x1xf32>
    %ge3A_60 = arith.constant 4112 : i32
    %ge3A_61 = vector.broadcast %ge3A_60 : i32 to vector<1x4224xi32>
    %ge3A_62 = arith.cmpi sge, %iota3A, %ge3A_61 : vector<1x4224xi32>
    %lt3A_63 = arith.constant 4128 : i32
    %lt3A_64 = vector.broadcast %lt3A_63 : i32 to vector<1x4224xi32>
    %lt3A_65 = arith.cmpi slt, %iota3A, %lt3A_64 : vector<1x4224xi32>
    %and3A_66 = arith.andi %ge3A_62, %lt3A_65 : vector<1x4224xi1>
    %jit3A_67 = arith.constant 0.000000e+00 : f32
    %broadcast_in_dim3A_68 = vector.broadcast %jit3A_67 : f32 to vector<1x4224xf32>
    %select_n3A_69 = arith.select %and3A_66, %broadcast_in_dim3A, %broadcast_in_dim3A_68 : vector<1x4224xi1>, vector<1x4224xf32>
    %reduce_sum3A_70 = vector.shape_cast %select_n3A_69 : vector<1x4224xf32> to vector<1x1x4224xf32>
    %reduce_sum3A_71 = arith.constant dense<0.000000e+00> : vector<1xf32>
    %reduce_sum3A_72 = vector.multi_reduction <add>, %reduce_sum3A_70, %reduce_sum3A_71 [1, 2] : vector<1x1x4224xf32> to vector<1xf32>
    %reduce_sum3A_73 = vector.shape_cast %reduce_sum3A_72 : vector<1xf32> to vector<1x1x1xf32>
    %reduce_sum3A_74 = vector.extract %reduce_sum3A_73[0, 0, 0] : f32 from vector<1x1x1xf32>
    %ge3A_75 = arith.constant 4128 : i32
    %ge3A_76 = vector.broadcast %ge3A_75 : i32 to vector<1x4224xi32>
    %ge3A_77 = arith.cmpi sge, %iota3A, %ge3A_76 : vector<1x4224xi32>
    %lt3A_78 = arith.constant 4144 : i32
    %lt3A_79 = vector.broadcast %lt3A_78 : i32 to vector<1x4224xi32>
    %lt3A_80 = arith.cmpi slt, %iota3A, %lt3A_79 : vector<1x4224xi32>
    %and3A_81 = arith.andi %ge3A_77, %lt3A_80 : vector<1x4224xi1>
    %jit3A_82 = arith.constant 0.000000e+00 : f32
    %broadcast_in_dim3A_83 = vector.broadcast %jit3A_82 : f32 to vector<1x4224xf32>
    %select_n3A_84 = arith.select %and3A_81, %broadcast_in_dim3A, %broadcast_in_dim3A_83 : vector<1x4224xi1>, vector<1x4224xf32>
    %reduce_sum3A_85 = vector.shape_cast %select_n3A_84 : vector<1x4224xf32> to vector<1x1x4224xf32>
    %reduce_sum3A_86 = arith.constant dense<0.000000e+00> : vector<1xf32>
    %reduce_sum3A_87 = vector.multi_reduction <add>, %reduce_sum3A_85, %reduce_sum3A_86 [1, 2] : vector<1x1x4224xf32> to vector<1xf32>
    %reduce_sum3A_88 = vector.shape_cast %reduce_sum3A_87 : vector<1xf32> to vector<1x1x1xf32>
    %reduce_sum3A_89 = vector.extract %reduce_sum3A_88[0, 0, 0] : f32 from vector<1x1x1xf32>
    %ge3A_90 = arith.constant 4144 : i32
    %ge3A_91 = vector.broadcast %ge3A_90 : i32 to vector<1x4224xi32>
    %ge3A_92 = arith.cmpi sge, %iota3A, %ge3A_91 : vector<1x4224xi32>
    %lt3A_93 = arith.constant 4160 : i32
    %lt3A_94 = vector.broadcast %lt3A_93 : i32 to vector<1x4224xi32>
    %lt3A_95 = arith.cmpi slt, %iota3A, %lt3A_94 : vector<1x4224xi32>
    %and3A_96 = arith.andi %ge3A_92, %lt3A_95 : vector<1x4224xi1>
    %jit3A_97 = arith.constant -1.000000e+00 : f32
    %broadcast_in_dim3A_98 = vector.broadcast %jit3A_97 : f32 to vector<1x4224xf32>
    %select_n3A_99 = arith.select %and3A_96, %broadcast_in_dim3A_4, %broadcast_in_dim3A_98 : vector<1x4224xi1>, vector<1x4224xf32>
    %reduce_max3A_100 = vector.shape_cast %select_n3A_99 : vector<1x4224xf32> to vector<1x1x4224xf32>
    %reduce_max3A_101 = arith.constant dense<0xFF800000> : vector<1xf32>
    %reduce_max3A_102 = vector.multi_reduction <maximumf>, %reduce_max3A_100, %reduce_max3A_101 [1, 2] : vector<1x1x4224xf32> to vector<1xf32>
    %reduce_max3A_103 = vector.shape_cast %reduce_max3A_102 : vector<1xf32> to vector<1x1x1xf32>
    %reduce_max3A_104 = vector.extract %reduce_max3A_103[0, 0, 0] : f32 from vector<1x1x1xf32>
    %add3A_105 = arith.constant 1.000000e+00 : f32
    %add3A_106 = arith.addf %reduce_max3A_104, %add3A_105 : f32
    %div3A = arith.constant 6.400000e+06 : f32
    %div3A_107 = arith.divf %reduce_sum3A_89, %div3A : f32
    %gt3A = arith.constant 0.000000e+00 : f32
    %gt3A_108 = arith.cmpf ogt, %div3A_107, %gt3A : f32
    %jit3A_109 = arith.constant 1.000000e+00 : f32
    %select_n3A_110 = arith.select %gt3A_108, %div3A_107, %jit3A_109 : f32
    %mul3A_111 = arith.mulf %select_n3A_110, %select_n3A_110 : f32
    %div3A_112 = arith.constant 1.000000e+00 : f32
    %div3A_113 = arith.divf %div3A_112, %mul3A_111 : f32
    %div3A_114 = arith.constant 1.920000e+07 : f32
    %div3A_115 = arith.divf %reduce_sum3A_59, %div3A_114 : f32
    %div3A_116 = arith.constant 1.920000e+07 : f32
    %div3A_117 = arith.divf %reduce_sum3A_74, %div3A_116 : f32
    %mul3A_118 = arith.mulf %reduce_sum3A_33, %div3A_113 : f32
    %mul3A_119 = arith.constant 3.000000e+00 : f32
    %mul3A_120 = arith.mulf %add3A_106, %mul3A_119 : f32
    %div3A_121 = arith.divf %mul3A_118, %mul3A_120 : f32
    %mul3A_122 = arith.mulf %reduce_sum3A_45, %div3A_113 : f32
    %div3A_123 = arith.divf %mul3A_122, %add3A_106 : f32
    %add3A_124 = arith.addf %div3A_115, %div3A_117 : f32
    %mul3A_125 = arith.constant 1.000000e-01 : f32
    %mul3A_126 = arith.mulf %mul3A_125, %div3A_123 : f32
    %add3A_127 = arith.addf %add3A_124, %mul3A_126 : f32
    %mul3A_128 = arith.constant 1.000000e-01 : f32
    %mul3A_129 = arith.mulf %mul3A_128, %div3A_121 : f32
    %add3A_130 = arith.addf %add3A_127, %mul3A_129 : f32
    %iota3A_131 = tpu.iota {dimensions = array<i32: 1>} : vector<1x128xi32>
    %eq3A_132 = arith.constant 0 : i32
    %eq3A_133 = vector.broadcast %eq3A_132 : i32 to vector<1x128xi32>
    %eq3A_134 = arith.cmpi eq, %iota3A_131, %eq3A_133 : vector<1x128xi32>
    %eq3A_135 = arith.constant 1 : i32
    %eq3A_136 = vector.broadcast %eq3A_135 : i32 to vector<1x128xi32>
    %eq3A_137 = arith.cmpi eq, %iota3A_131, %eq3A_136 : vector<1x128xi32>
    %eq3A_138 = arith.constant 2 : i32
    %eq3A_139 = vector.broadcast %eq3A_138 : i32 to vector<1x128xi32>
    %eq3A_140 = arith.cmpi eq, %iota3A_131, %eq3A_139 : vector<1x128xi32>
    %eq3A_141 = arith.constant 3 : i32
    %eq3A_142 = vector.broadcast %eq3A_141 : i32 to vector<1x128xi32>
    %eq3A_143 = arith.cmpi eq, %iota3A_131, %eq3A_142 : vector<1x128xi32>
    %eq3A_144 = arith.constant 4 : i32
    %eq3A_145 = vector.broadcast %eq3A_144 : i32 to vector<1x128xi32>
    %eq3A_146 = arith.cmpi eq, %iota3A_131, %eq3A_145 : vector<1x128xi32>
    %jit3A_147 = arith.constant 0.000000e+00 : f32
    %broadcast_in_dim3A_148 = vector.broadcast %div3A_121 : f32 to vector<1x128xf32>
    %broadcast_in_dim3A_149 = vector.broadcast %jit3A_147 : f32 to vector<1x128xf32>
    %select_n3A_150 = arith.select %eq3A_146, %broadcast_in_dim3A_148, %broadcast_in_dim3A_149 : vector<1x128xi1>, vector<1x128xf32>
    %broadcast_in_dim3A_151 = vector.broadcast %div3A_123 : f32 to vector<1x128xf32>
    %select_n3A_152 = arith.select %eq3A_143, %broadcast_in_dim3A_151, %select_n3A_150 : vector<1x128xi1>, vector<1x128xf32>
    %broadcast_in_dim3A_153 = vector.broadcast %div3A_117 : f32 to vector<1x128xf32>
    %select_n3A_154 = arith.select %eq3A_140, %broadcast_in_dim3A_153, %select_n3A_152 : vector<1x128xi1>, vector<1x128xf32>
    %broadcast_in_dim3A_155 = vector.broadcast %div3A_115 : f32 to vector<1x128xf32>
    %select_n3A_156 = arith.select %eq3A_137, %broadcast_in_dim3A_155, %select_n3A_154 : vector<1x128xi1>, vector<1x128xf32>
    %broadcast_in_dim3A_157 = vector.broadcast %add3A_130 : f32 to vector<1x128xf32>
    %select_n3A_158 = arith.select %eq3A_134, %broadcast_in_dim3A_157, %select_n3A_156 : vector<1x128xi1>, vector<1x128xf32>
    %swap3A = arith.constant 0 : index
    %swap3A_159 = arith.constant 0 : index
    %swap3A_160 = vector.load %arg1[%swap3A, %swap3A_159] : memref<1x128xf32, #tpu.memory_space<vmem>>, vector<1x128xf32>
    tpu.vector_store %arg1[%swap3A, %swap3A_159], %select_n3A_158 {strides = array<i32>} : memref<1x128xf32, #tpu.memory_space<vmem>>, vector<1x128xf32>,
    return
  }
}

</mosaic_0001>

<sc_bundles>
// kernel: physics_loss_sc.4.cloned.1.call-start
scs
__scs_entry_jumppad:
0x0: {  	(pc) =	sbr.rel $0x88, $3  }
0x1: {  	(tag) =	ssettag $0x0;
	lr =	simm.s32 $0x1  }
0x2: {  	[smem:$0x3F9D] =	sst lr;
	_ =	strace $0xD0000000  }
0x3: {  	_ = 	snop  }
0x4: {  	_ = 	snop  }
0x5: {  	_ = 	snop  }
0x6: {  	_ = 	snop  }
0x7: {  	_ = 	snop  }
__scs_overlays_trampoline_lowered:
0x8: {  	[smem:$0x3FAC] =	sst s0  }
0x9: {  	[smem:$0x3FAD] =	sst s1  }
0xa: {  	[smem:$0x3FAE] =	sst s2  }
0xb: {  	[smem:$0x3FAF] =	sst s3  }
0xc: {  	[smem:$0x3FB0] =	sst s4  }
0xd: {  	[smem:$0x3FB1] =	sst s5  }
0xe: {  	[smem:$0x3FB2] =	sst s6  }
0xf: {  	[smem:$0x3FB3] =	sst s7  }
0x10: {  	[smem:$0x3FB4] =	sst s8  }
0x11: {  	[smem:$0x3FB5] =	sst s9;
	s0 =	simm.s32 @!p0 $0x0  }
0x12: {  	s1 =	sld [smem:$0x3F9B];
	s0 =	simm.s32 @p0 $0x1  }
0x13: {  	[smem:$0x3FB6] =	sst s0;
	s0 =	simm.s32 @!p1 $0x0  }
0x14: {  	s2 =	sld [smem:$0x3F9A];
	s0 =	simm.s32 @p1 $0x1  }
0x15: {  	[smem:$0x3FB7] =	sst s0;
	s0 =	simm.s32 @!p2 $0x0  }
0x16: {  	s3 =	sld [smem:$0x3FDB];
	s0 =	simm.s32 @p2 $0x1  }
0x17: {  	s4 =	simm.s32 $0x1BF5;
	[smem:$0x3FB9] =	sst s0  }
0x18: {  	s0 =	sld [smem:$0x3F9C];
	_ =	swait.ge [sflag:s4], $0x0  }
0x19: {  	s7 =	sld [smem:$0x3F9D]  }
0x1a: {  	s8 =	sadd.s32 $0xFFFFE003, lr  }
0x1b: {  	s9 =	sadd.s32 $0xFFFFFEF7, lr;
	s5 =	simm.s32 $0xFFFFFFFF;
	p2 =	slt.u32 s8, $0xFFFFF086  }
0x1c: {  	p1 =	slt.u32 s9, $0xF7A;
	s5 =	simm.s32 @!p2 $0x0  }
0x1d: {  	s5 =	simm.s32 @p1 $0x1;
	p0 =	seq.s32 s7, s2  }
0x1e: {  	s7 =	smul.u32 @!p0 $0xF7A, s2;
	p2 =	seq.s32 @!p0 s5, $0x0  }
0x1f: {  	s9 =	smul.u32 $0xF7A, s1;
	s8 =	simm.s32 @!p0 $0x1BF5;
	p2 =	por !p2, p0  }
0x20: {  	[sflag:s8] =	ssyncset.s32 @!p0 $0xFFFFF086;
	s6 =	sadd.s32 @!p0 s3, s7;
	s7 =	simm.s32 @!p0 $0x108  }
0x21: {  	s3 =	sadd.s32 s3, s9;
	s6 =	sadd.s32 @!p0 $0x88, s6;
	s7 =	simm.s32 @p2 $0x1082  }
0x22: {  	[simem:s7], [sflag:s8] =	dma.local @!p0 [hbm:s6], $0xF7A  }
0x23: {  	s9 =	sor.u32 $0xD0000000, s2;
	s6 =	simm.s32 $0x108;
	_ =	swait.ge @!p0 [sflag:s8], $0x0  }
0x24: {  	s3 =	sadd.s32 $0x88, s3;
	s6 =	simm.s32 @!p1 $0x1082;
	[sflag:s4] =	ssyncset.s32 $0xFFFFF086  }
0x25: {  	[simem:s6], [sflag:s4] =	dma.local [hbm:s3], $0xF7A  }
0x26: {  	[smem:$0x3F9D] =	sst s1;
	(tag) =	ssettag s2;
	_ =	strace s9  }
0x27: {  	s1 =	sld [smem:$0x3FAD]  }
0x28: {  	s2 =	sld [smem:$0x3FAE]  }
0x29: {  	s4 =	sld [smem:$0x3FB0]  }
0x2a: {  	p0 =	seq.s32 s5, $0x0;
	s5 =	sld [smem:$0x3FB1]  }
0x2b: {  	s6 =	sld [smem:$0x3FB2]  }
0x2c: {  	s7 =	sld [smem:$0x3FB3]  }
0x2d: {  	s3 =	simm.s32 $0x108;
	s8 =	sld [smem:$0x3FB4]  }
0x2e: {  	s3 =	simm.s32 @!p0 $0x1082;
	s9 =	sld [smem:$0x3FB5]  }
0x2f: {  	lr =	sadd.s32 s0, s3;
	s0 =	sld [smem:$0x3FAC]  }
0x30: {  	s3 =	sld [smem:$0x3FAF]  }
0x31: {  	[smem:$0x3FB8] =	sst s10  }
0x32: {  	s10 =	sld [smem:$0x3FB6];
	_ =	sdelay $0x3  }
0x33: {  	p0 =	seq.s32 s10, $0x1;
	s10 =	sld [smem:$0x3FB8];
	_ =	sdelay $0x3  }
0x34: {  	[smem:$0x3FB8] =	sst s10  }
0x35: {  	s10 =	sld [smem:$0x3FB7];
	_ =	sdelay $0x3  }
0x36: {  	p1 =	seq.s32 s10, $0x1;
	s10 =	sld [smem:$0x3FB8];
	_ =	sdelay $0x3  }
0x37: {  	[smem:$0x3FB8] =	sst s10  }
0x38: {  	s10 =	sld [smem:$0x3FB9]  }
0x39: {  	_ = 	snop;
	(pc) =	sbr.ind lr, $3  }
0x3a: {  	_ = 	snop  }
0x3b: {  	_ = 	snop  }
0x3c: {  	p2 =	seq.s32 s10, $0x1;
	s10 =	sld [smem:$0x3FB8]  }
0x3d: {  	_ =	shalt  }
0x3e: {  	_ =	shalt  }
0x3f: {  	_ =	shalt  }
0x40: {  	_ =	shalt  }
0x41: {  	_ =	shalt  }
0x42: {  	_ =	shalt  }
0x43: {  	_ =	shalt  }
0x44: {  	_ =	shalt  }
0x45: {  	_ =	shalt  }
0x46: {  	_ =	shalt  }
0x47: {  	_ =	shalt  }
0x48: {  	_ =	shalt  }
0x49: {  	_ =	shalt  }
0x4a: {  	_ =	shalt  }
0x4b: {  	_ =	shalt  }
0x4c: {  	_ =	shalt  }
0x4d: {  	_ =	shalt  }
0x4e: {  	_ =	shalt  }
0x4f: {  	_ =	shalt  }
0x50: {  	_ =	shalt  }
0x51: {  	_ =	shalt  }
0x52: {  	_ =	shalt  }
0x53: {  	_ =	shalt  }
0x54: {  	_ =	shalt  }
0x55: {  	_ =	shalt  }
0x56: {  	_ =	shalt  }
0x57: {  	_ =	shalt  }
0x58: {  	_ =	shalt  }
0x59: {  	_ =	shalt  }
0x5a: {  	_ =	shalt  }
0x5b: {  	_ =	shalt  }
0x5c: {  	_ =	shalt  }
0x5d: {  	_ =	shalt  }
0x5e: {  	_ =	shalt  }
0x5f: {  	_ =	shalt  }
0x60: {  	_ =	shalt  }
0x61: {  	_ =	shalt  }
0x62: {  	_ =	shalt  }
0x63: {  	_ =	shalt  }
0x64: {  	_ =	shalt  }
0x65: {  	_ =	shalt  }
0x66: {  	_ =	shalt  }
0x67: {  	_ =	shalt  }
0x68: {  	_ =	shalt  }
0x69: {  	_ =	shalt  }
0x6a: {  	_ =	shalt  }
0x6b: {  	_ =	shalt  }
0x6c: {  	_ =	shalt  }
0x6d: {  	_ =	shalt  }
0x6e: {  	_ =	shalt  }
0x6f: {  	_ =	shalt  }
0x70: {  	_ =	shalt  }
0x71: {  	_ =	shalt  }
0x72: {  	_ =	shalt  }
0x73: {  	_ =	shalt  }
0x74: {  	_ =	shalt  }
0x75: {  	_ =	shalt  }
0x76: {  	_ =	shalt  }
0x77: {  	_ =	shalt  }
0x78: {  	_ =	shalt  }
0x79: {  	_ =	shalt  }
0x7a: {  	_ =	shalt  }
0x7b: {  	_ =	shalt  }
0x7c: {  	_ =	shalt  }
0x7d: {  	_ =	shalt  }
0x7e: {  	_ =	shalt  }
0x7f: {  	_ =	shalt  }
0x80: {  	_ =	shalt  }
0x81: {  	_ =	shalt  }
0x82: {  	_ =	shalt  }
0x83: {  	_ =	shalt  }
0x84: {  	_ =	shalt  }
0x85: {  	_ =	shalt  }
0x86: {  	_ =	shalt  }
0x87: {  	_ =	shalt  }
.Lfunc_end0:
.L_simem_size_0:
called_computation_lowered:
.L_overlay_start_0:
0x88: {  	s2 =	sld [smem:$0x3FD9]  }
0x89: {  	s3 =	sld [smem:$0x3FFE];
	_ =	sdelay $0x1  }
0x8a: {  	s1 =	srdreg.scid  }
0x8b: {  	s0 =	sand.u32 $0x1, s1  }
0x8c: {  	s16 =	sshll.u32 s0, $0xA;
	s2 =	sadd.s32 s3, s2  }
0x8d: {  	s2 =	sadd.s32 s2, s16  }
0x8e: {  	[smem:$0x3FC4] =	sst s2  }
0x8f: {  	_ = 	snop  }
0x90: {  	(tm) =	ssettm $0x1  }
0x91: {  	s17 =	sld [smem:$0x3FFB];
	_ =	sdelay $0x3  }
0x92: {  	_ =	strace s17  }
0x93: {  	s2 =	sld [smem:$0x3FFC];
	_ =	sdelay $0x3  }
0x94: {  	_ =	strace s2  }
0x95: {  	s2 =	sld [smem:$0x3FFD];
	_ =	sdelay $0x3  }
0x96: {  	_ =	strace s2  }
0x97: {  	_ =	strace $0x8FFFFFFF  }
0x98: {  	s18 =	sld [smem:$0x3FDB];
	_ =	sdelay $0x1  }
0x99: {  	s19 =	simm.s32 $_scs_section_size  }
0x9a: {  	s4 =	simm.s32 $_size__tile_overlayer_lowered;
	s5 =	simm.s32 $_tile_overlayer_lowered  }
0x9b: {  	s22 =	simm.s32 $0x1BFF;
	s21 =	sshll.u32 s5, $0x1;
	s2 =	sadd.s32 s19, s18  }
0x9c: {  	s6 =	simm.s32 $0x0;
	s20 =	sshll.u32 s4, $0x1;
	s4 =	sadd.s32 s21, s2  }
0x9d: {  	[timem:s6], [sflag:s22] =	dma.local [hbm:s4], s20  }
0x9e: {  	_ =	swait.ge [sflag:s22], s20  }
0x9f: {  	s3 =	ssub.s32 $0x0, s20;
	[sflag:s22] =	ssyncset.done $0x0  }
0xa0: {  	[sflag:s22] =	ssyncadd.s32 s3;
	_ =	sdelay $0x1  }
0xa1: {  	s23 =	simm.s32 $0x1B8B  }
0xa2: {  	_ =	swait.ge [sflag:s23], $0x1  }
0xa3: {  	[sflag:s23] =	ssyncset.done $0x0  }
0xa4: {  	s25 =	simm.s32 $0x1B8E;
	s24 =	sld [smem:$0x3FFE];
	[sflag:s23] =	ssyncadd.s32 $0xFFFFFFFF  }
0xa5: {  	s26 =	simm.s32 $execute0_lowered;
	[smem:$0x3FD2] =	sst s25  }
0xa6: {  	s4 =	sshll.u32 s26, $0x1;
	_ =	strace $0x80000046;
	[dreg:$0x1] =	wrdreg $0xFFFFFFFF  }
0xa7: {  	s28 =	simm.s32 $_size_execute0_lowered;
	s2 =	sadd.s32 s2, s4;
	[dreg:$0x0] =	wrdreg $0x0  }
0xa8: {  	s4 =	sshll.u32 s28, $0x1;
	[dreg:$0x2] =	wrdreg s2  }
0xa9: {  	[dreg:$0x3] =	wrdreg s4  }
0xaa: {  	[dreg:$0x4] =	wrdreg $0xC0  }
0xab: {  	_ =	task [dreg:s6], $0x5FFFF  }
0xac: {  	[dreg:$0x1] =	wrdreg $0xFFFFFFFF  }
0xad: {  	[dreg:$0x0] =	wrdreg $0x60  }
0xae: {  	[dreg:$0x2] =	wrdreg s24  }
0xaf: {  	[dreg:$0x3] =	wrdreg $0x9  }
0xb0: {  	_ =	task.clear_ibuf [dreg:s6], $0x4FFFF;
	_ =	strace $0x90000046  }
0xb1: {  	s29 =	simm.s32 $0x9;
	_ =	strace $0x80000048  }
0xb2: {  	_ =	swait.ge [sflag:s29], $0x1  }
0xb3: {  	[sflag:s29] =	ssyncadd.s32 $0xFFFFFFFF  }
0xb4: {  	_ =	strace $0x90000048  }
0xb5: {  	_ =	sfence  }
0xb6: {  	s30 =	sld [smem:$0x0];
	_ =	sdelay $0x2  }
0xb7: {  	s31 =	sshll.u32 s1, $0xD;
	s1 =	sshrl.u32 s1, $0x2  }
0xb8: {  	s3 =	sand.u32 $0x4000, s31;
	s1 =	sadd.s32 s1, s30  }
0xb9: {  	s0 =	sor.u32 s3, s0;
	s1 =	sshll.u32 s1, $0x11  }
0xba: {  	s0 =	sor.u32 s1, s0  }
0xbb: {  	s0 =	sadd.s32 $0x8F2B, s0  }
0xbc: {  	[sflag:s0] =	ssyncadd.remote.s32 $0x1  }
0xbd: {  	_ =	sfence.sel $0xFFFF  }
0xbe: {  	[dreg:$0x0] =	wrdreg $0xFFFFFFFF;
	(pc) =	sbr.abs _section_cstart, $3  }
0xbf: {  	[dreg:$0x1] =	wrdreg $0xFFFFFFFF  }
0xc0: {  	_ =	task.clear_ibuf [dreg:s6], $0x2FFFF;
	_ =	strace $0x9FFFFFFF  }
0xc1: {  	(tm) =	ssettm $0x7FFFFFFF  }
tec
execute0_lowered:
.L_overlay_start_1:
0x0: {  	(tag) =	ssettag $0x1  }
0x1: {  	s4 =	rddreg [dreg:$0x0]  }
0x2: {  	s0 =	rddreg [dreg:$0x1];
	s2 =	simm.s32 $0x0  }
0x3: {  	s3 =	srdreg.scid;
	s1 =	stileid.u32;
	s13 =	simm.s32 $0x19000  }
0x4: {  	s14 =	simm.s32 $0x2;
	s15 =	simm.s32 $0x80;
	s16 =	simm.s32 $0x400  }
0x5: {  	s17 =	simm.s32 $0x3;
	s18 =	simm.s32 $0x1A000;
	s19 =	simm.s32 $0x0  }
0x6: {  	s5 =	sand.u32 $0x1, s3;
	s6 =	sshll.u32 s1, $0x1;
	s10 =	sshrl.u32 s1, $0x2  }
0x7: {  	s3 =	sadd.s32 $0x1621800, s4;
	s6 =	sor.u32 s5, s6;
	s24 =	smul.u32 $0x8400, s10  }
0x8: {  	[smem:$0x7FF] =	sst s2;
	s9 =	sadd.s32 $0x1400, s4;
	s23 =	smul.u32 $0x186A00, s6  }
0x9: {  	_ =	strace $0x80000047;
	s22 =	ssub.s32 $0x2, s5;
	s8 =	smul.u32 $0xC35000, s6  }
0xa: {  	s7 =	sshrl.u32 s22, $0x1;
	s25 =	sshll.u32 s6, $0x7;
	s26 =	smul.u32 $0xFA, s6  }
0xb: {  	s11 =	ssub.s32 s22, s7;
	s29 =	sand.u32 $0x380, s25;
	s28 =	sshrl.u32 s8, $0x3  }
.Ltmp0:
0xc: {  	s4 =	sadd.s32 s3, s23;
	s8 =	sor.u32 s24, s29;
	(pc) =	sbr.rel .LBB2_1-.Ltmp0, $4  }
0xd: {  	s6 =	sadd.s32 $0x2, s26;
	s7 =	sadd.s32 $0x3, s26;
	s10 =	smax.u32 s11, $0x1  }
0xe: {  	s11 =	simm.s32 $0xC800;
	s30 =	sadd.s32 s3, s28;
	s12 =	sadd.s32 $0x8000, s8  }
0xf: {  	v1 =	vlaneseq.u32;
	s8 =	sshrl.u32 s8, $0x3;
	s5 =	sadd.s32 $0x1900, s30;
	s31 =	sshrl.u32 s12, $0x3  }
0x10: {  	v0 =	vimm.f32 $0.0e+00;
	v1 =	vmul.u32 $0x80, v1;
	s8 =	sadd.s32 s9, s8;
	s12 =	simm.s32 $0x1;
	s9 =	sadd.s32 s9, s31  }
.LBB2_10:
0x11: {  	[tilespmem:$0x1A000] =	vst v8  }
0x12: {  	[tilespmem:$0x1A010] =	vst v10  }
0x13: {  	[tilespmem:$0x1A020] =	vst v3  }
0x14: {  	[tilespmem:$0x1A040] =	vst v0  }
0x15: {  	[tilespmem:$0x1A050] =	vst v0  }
0x16: {  	v2 =	vcvt.s32.f32 v4;
	[tilespmem:$0x1A060] =	vst v0  }
0x17: {  	[tilespmem:$0x1A070] =	vst v0  }
0x18: {  	[tilespmem:$0x1A030] =	vst v2  }
0x19: {  	[hbm4b:s8+s15] =	stream.strided.scatter [tilespmem:s13], [sflag:$0x3], $0x1000, s16, s15, $0x38;
	[tilespmem:$0x1A080] =	vst v63  }
0x1a: {  	s19 =	sadd.s32 $0x1, s19;
	_ =	swait.ge [sflag:s17], $0x1000  }
0x1b: {  	p0 =	sne.s32 s19, s10;
	[sflag:s17] =	ssyncset.done $0x0  }
.Ltmp1:
0x1c: {  	[sflag:s17] =	ssyncadd.s32 $0xFFFFF000;
	(pc) =	sbr.rel @!p0 .LBB2_11-.Ltmp1, $4  }
0x1d: {  	[hbm4b:s9+s2] =	stream.linear.scatter [tilespmem:s18], [sflag:$0x3], $0x80, $0x38;
	[tilespmem:$0x1A080] =	vst v63  }
0x1e: {  	_ =	swait.ge [sflag:s17], $0x80  }
0x1f: {  	[sflag:s17] =	ssyncset.done $0x0  }
0x20: {  	[sflag:s17] =	ssyncadd.s32 $0xFFFFFF80  }
.LBB2_1:
0x21: {  	s20 =	simm.s32 $0x40;
	s21 =	simm.s32 $0x0  }
.LBB2_2:
0x22: {  	p0 =	sne.s32 s20, $0x3FC0;
	[tilespmem:s21+$0x19000] =	vst v0;
	s21 =	smov.u32 s20;
	s20 =	sadd.s32 $0x40, s20  }
.Ltmp2:
0x23: {  	(pc) =	sbr.rel @p0 .LBB2_2-.Ltmp2, $2  }
0x24: {  	_ =	sdelay $0x2  }
0x25: {  	s21 =	sshra.s32 s21, $0x2  }
0x26: {  	[tilespmem:s21+$0x19000] =	vst v0;
	s20 =	simm.s32 $0x0  }
0x27: {  	[tilespmem:s20], [sflag:$0x1] =	stream.linear.gather [hbm4b:s4+s20], $0xC800, $0x38;
	[tilespmem:$0x1A080] =	vst v63  }
0x28: {  	v3 =	vimm.f32 $0.0e+00;
	s21 =	simm.s32 $0x0  }
0x29: {  	v4 =	vimm.s32 $0xFFFFFFFF;
	v10 =	vimm.f32 $0.0e+00;
	v8 =	vimm.f32 $0.0e+00;
	[tilespmem:s11], [sflag:$0x2] =	stream.linear.gather [hbm4b:s5+s20], $0xC800, $0x38;
	[tilespmem:$0x1A080] =	vst v63  }
.LBB2_4:
0x2a: {  	v2 =	vmov s20  }
0x2b: {  	s30 =	simm.s32 $0x20;
	v2 =	vshll.u32 v2, $0x7  }
0x2c: {  	s22 =	simm.s32 $0x10;
	s31 =	simm.s32 $0x30;
	v7 =	vmov s30;
	v21 =	vor.u32 v1, v2  }
0x2d: {  	v12 =	vmov s31;
	v2 =	vmov s22;
	v5 =	vor.u32 $0x7, v21  }
0x2e: {  	v7 =	vshll.u32 v7, $0x7;
	v25 =	vor.u32 $0x3, v21;
	v6 =	vor.u32 $0xA, v21  }
0x2f: {  	_ =	swait.ge [sflag:s12], $0xC800;
	v2 =	vshll.u32 v2, $0x7;
	v17 =	vor.u32 $0x6, v21;
	v7 =	vor.u32 v1, v7  }
0x30: {  	[sflag:s12] =	ssyncset.done $0x0;
	v27 =	vor.u32 $0x5, v21;
	v14 =	vor.u32 v1, v2;
	v2 =	vor.u32 $0x4, v21  }
0x31: {  	[sflag:s12] =	ssyncadd.s32 $0xFFFF3800;
	v30 =	vor.u32 $0x8, v21;
	v31 =	vor.u32 $0x9, v21;
	v9 =	vor.u32 $0x3, v7  }
0x32: {  	v15 =	vor.u32 $0xA, v7;
	v11 =	vor.u32 $0x6, v7;
	v13 =	vor.u32 $0x7, v7;
	v26 =	vld.idx.msk [tilespmem:v5+s2+$0x0], $0xffff  }
0x33: {  	v16 =	vor.u32 $0x3, v14;
	v18 =	vor.u32 $0xA, v14;
	v5 =	vshll.u32 v12, $0x7;
	v28 =	vld.idx.msk [tilespmem:v6+s2+$0x0], $0xffff  }
0x34: {  	v20 =	vor.u32 $0x6, v14;
	v23 =	vor.u32 $0x7, v14;
	v29 =	vld.idx.msk [tilespmem:v17+s2+$0x0], $0xffff;
	v6 =	vor.u32 v1, v5  }
0x35: {  	v19 =	vor.u32 $0x4, v14;
	v12 =	vor.u32 $0x4, v7;
	v24 =	vld.idx.msk [tilespmem:v2+s2+$0x0], $0xffff;
	v2 =	vor.u32 $0x3, v6  }
0x36: {  	s22 =	simm.s32 $0x40;
	v25 =	vld.idx.msk [tilespmem:v25+s2+$0x0], $0xffff;
	v5 =	vor.u32 $0xA, v6;
	v17 =	vor.u32 $0x6, v6;
	v22 =	vor.u32 $0x7, v6  }
.LBB2_5:
0x37: {  	p0 =	sne.s32 s22, $0x180;
	v27 =	vld.idx.msk [tilespmem:v27+s2+$0x0], $0xffff;
	v32 =	vmov v17;
	v17 =	vmov v13;
	v13 =	vmov v22;
	s23 =	smov.u32 s22;
	s22 =	sadd.s32 $0x10, s22  }
0x38: {  	v22 =	vor.u32 $0x4, v6;
	v33 =	vor.u32 $0x1, v21;
	v30 =	vld.idx.msk [tilespmem:v30+s2+$0x0], $0xffff  }
0x39: {  	v28 =	vtrunc.f32 v28;
	v31 =	vld.idx.msk [tilespmem:v31+s2+$0x0], $0xffff  }
0x3a: {  	v34 =	vor.u32 $0x2, v21;
	v28 =	vcvt.f32.s32 v28;
	v26 =	vmul.f32 v26, v24  }
0x3b: {  	v36 =	vmul.f32 v24, v24;
	v35 =	vld.idx.msk [tilespmem:v21+s2+$0x0], $0xffff;
	v21 =	vmovc v14;
	v14 =	vmov v7;
	v7 =	vmov v6  }
0x3c: {  	v6 =	vmul.f32 v25, v25;
	v37 =	vshll.u32 v28, $0x2;
	v29 =	vmul.f32 v29, v25  }
0x3d: {  	vm0 =	vgt.s32 v4, v28;
	v38 =	vor.u32 $0x1, v37;
	v39 =	vor.u32 $0x2, v37;
	v33 =	vld.idx.msk [tilespmem:v33+s2+$0x0], $0xffff  }
0x3e: {  	v6 =	vadd.f32 v6, v10;
	v10 =	vadd.f32 v26, v29;
	v26 =	vmul.f32 v30, v27  }
0x3f: {  	v25 =	vmul.f32 v31, v25;
	v30 =	vmul.f32 $5.000000000e-01, v31;
	v29 =	vld.idx.msk [tilespmem:v34+s2+$0x0], $0xffff;
	v34 =	vor.u32 $0x3, v37  }
0x40: {  	v24 =	vmul.f32 v31, v24;
	v40 =	vmul.f32 v31, v27;
	v10 =	vadd.f32 v26, v10  }
0x41: {  	v6 =	vadd.f32 v36, v6;
	v26 =	vmul.f32 v35, v35;
	[tilespmem:v37+s13+$0x0] =	vst.idx.add.f32.msk $0xffff, v25  }
0x42: {  	v25 =	vmul.f32 v27, v27;
	v10 =	vmul.f32 v10, v30;
	[tilespmem:v38+s13+$0x0] =	vst.idx.add.f32.msk $0xffff, v24  }
0x43: {  	v4 =	vsel vm0, v4, v28;
	v27 =	vor.u32 $0x5, v21;
	v24 =	vmul.f32 v33, v33;
	[tilespmem:v39+s13+$0x0] =	vst.idx.add.f32.msk $0xffff, v40  }
0x44: {  	v28 =	vmov s23;
	v3 =	vadd.f32 v31, v3;
	v8 =	vadd.f32 v26, v8;
	[tilespmem:v34+s13+$0x0] =	vst.idx.add.f32.msk $0xffff, v10  }
.Ltmp3:
0x45: {  	v28 =	vshll.u32 v28, $0x7;
	v33 =	vmul.f32 v29, v29;
	v10 =	vadd.f32 v25, v6;
	v26 =	vld.idx.msk [tilespmem:v23+s2+$0x0], $0xffff;
	v23 =	vmovc v17;
	(pc) =	sbr.rel @p0 .LBB2_5-.Ltmp3, $4  }
0x46: {  	v30 =	vor.u32 $0x8, v21;
	v6 =	vor.u32 v1, v28;
	v8 =	vadd.f32 v24, v8;
	v28 =	vld.idx.msk [tilespmem:v18+s2+$0x0], $0xffff;
	v18 =	vmovc v15  }
0x47: {  	v31 =	vor.u32 $0x9, v21;
	v34 =	vor.u32 $0x3, v6;
	v25 =	vor.u32 $0xA, v6;
	v24 =	vld.idx.msk [tilespmem:v19+s2+$0x0], $0xffff;
	v19 =	vmovc v12;
	v12 =	vmovc v22  }
0x48: {  	v17 =	vor.u32 $0x6, v6;
	v8 =	vadd.f32 v33, v8;
	v15 =	vmovc v5;
	v5 =	vmovc v25;
	v22 =	vor.u32 $0x7, v6;
	v29 =	vld.idx.msk [tilespmem:v20+s2+$0x0], $0xffff  }
0x49: {  	v20 =	vmovc v11;
	v11 =	vmovc v32;
	v25 =	vld.idx.msk [tilespmem:v16+s2+$0x0], $0xffff;
	v16 =	vmov v9;
	v9 =	vmov v2;
	v2 =	vmov v34  }
0x4a: {  	_ =	sdelay $0x3  }
0x4b: {  	v27 =	vld.idx.msk [tilespmem:v27+s2+$0x0], $0xffff  }
0x4c: {  	v30 =	vld.idx.msk [tilespmem:v30+s2+$0x0], $0xffff;
	v28 =	vtrunc.f32 v28  }
0x4d: {  	v31 =	vld.idx.msk [tilespmem:v31+s2+$0x0], $0xffff;
	v33 =	vor.u32 $0x2, v21;
	v28 =	vcvt.f32.s32 v28  }
0x4e: {  	v32 =	vor.u32 $0x1, v21  }
0x4f: {  	v26 =	vmul.f32 v26, v24;
	v34 =	vshll.u32 v28, $0x2;
	v29 =	vmul.f32 v29, v25  }
0x50: {  	v35 =	vor.u32 $0x1, v34  }
0x51: {  	v21 =	vld.idx.msk [tilespmem:v21+s2+$0x0], $0xffff;
	v36 =	vor.u32 $0x2, v34;
	v26 =	vadd.f32 v26, v29;
	v29 =	vmul.f32 v30, v27  }
0x52: {  	v54 =	vmul.f32 v31, v25;
	v37 =	vor.u32 $0x3, v34;
	v33 =	vld.idx.msk [tilespmem:v33+s2+$0x0], $0xffff  }
0x53: {  	v38 =	vmul.f32 $5.000000000e-01, v31;
	v39 =	vmul.f32 v31, v24;
	v30 =	vld.idx.msk [tilespmem:v32+s2+$0x0], $0xffff;
	v26 =	vadd.f32 v29, v26  }
0x54: {  	v29 =	vmul.f32 v31, v27;
	[tilespmem:v34+s13+$0x0] =	vst.idx.add.f32.msk $0xffff, v54  }
0x55: {  	[tilespmem:v35+s13+$0x0] =	vst.idx.add.f32.msk $0xffff, v39;
	v26 =	vmul.f32 v26, v38  }
0x56: {  	[tilespmem:v36+s13+$0x0] =	vst.idx.add.f32.msk $0xffff, v29  }
0x57: {  	[tilespmem:v37+s13+$0x0] =	vst.idx.add.f32.msk $0xffff, v26  }
0x58: {  	v29 =	vor.u32 $0x8, v14;
	v23 =	vld.idx.msk [tilespmem:v23+s2+$0x0], $0xffff  }
0x59: {  	v26 =	vor.u32 $0x5, v14;
	v18 =	vld.idx.msk [tilespmem:v18+s2+$0x0], $0xffff  }
0x5a: {  	v55 =	vor.u32 $0x9, v14;
	v19 =	vld.idx.msk [tilespmem:v19+s2+$0x0], $0xffff  }
0x5b: {  	v20 =	vld.idx.msk [tilespmem:v20+s2+$0x0], $0xffff  }
0x5c: {  	v16 =	vld.idx.msk [tilespmem:v16+s2+$0x0], $0xffff  }
0x5d: {  	v29 =	vld.idx.msk [tilespmem:v29+s2+$0x0], $0xffff  }
0x5e: {  	v26 =	vld.idx.msk [tilespmem:v26+s2+$0x0], $0xffff;
	v18 =	vtrunc.f32 v18  }
0x5f: {  	v57 =	vor.u32 $0x2, v14;
	v32 =	vld.idx.msk [tilespmem:v55+s2+$0x0], $0xffff;
	v18 =	vcvt.f32.s32 v18  }
0x60: {  	v56 =	vor.u32 $0x1, v14  }
0x61: {  	v23 =	vmul.f32 v23, v19;
	v20 =	vmul.f32 v20, v16;
	v58 =	vshll.u32 v18, $0x2  }
0x62: {  	v59 =	vor.u32 $0x1, v58  }
0x63: {  	v14 =	vld.idx.msk [tilespmem:v14+s2+$0x0], $0xffff;
	v20 =	vadd.f32 v23, v20;
	v60 =	vor.u32 $0x2, v58;
	v23 =	vmul.f32 v29, v26  }
0x64: {  	v35 =	vld.idx.msk [tilespmem:v57+s2+$0x0], $0xffff;
	v61 =	vmul.f32 v32, v16;
	v62 =	vor.u32 $0x3, v58  }
0x65: {  	v40 =	vmul.f32 $5.000000000e-01, v32;
	v29 =	vld.idx.msk [tilespmem:v56+s2+$0x0], $0xffff;
	v20 =	vadd.f32 v23, v20;
	v23 =	vmul.f32 v32, v19  }
0x66: {  	v63 =	vmul.f32 v32, v26;
	[tilespmem:v58+s13+$0x0] =	vst.idx.add.f32.msk $0xffff, v61  }
0x67: {  	v20 =	vmul.f32 v20, v40;
	[tilespmem:v59+s13+$0x0] =	vst.idx.add.f32.msk $0xffff, v23  }
0x68: {  	[tilespmem:v60+s13+$0x0] =	vst.idx.add.f32.msk $0xffff, v63  }
0x69: {  	[tilespmem:v62+s13+$0x0] =	vst.idx.add.f32.msk $0xffff, v20  }
0x6a: {  	v23 =	vmul.f32 v25, v25;
	v13 =	vld.idx.msk [tilespmem:v13+s2+$0x0], $0xffff  }
0x6b: {  	v20 =	vmul.f32 v21, v21;
	v21 =	vor.u32 $0x5, v7;
	v15 =	vld.idx.msk [tilespmem:v15+s2+$0x0], $0xffff  }
0x6c: {  	vm0 =	vgt.s32 v4, v28;
	v10 =	vadd.f32 v23, v10;
	v23 =	vor.u32 $0x8, v7;
	v12 =	vld.idx.msk [tilespmem:v12+s2+$0x0], $0xffff  }
0x6d: {  	v24 =	vmul.f32 v24, v24;
	v11 =	vld.idx.msk [tilespmem:v11+s2+$0x0], $0xffff;
	v8 =	vadd.f32 v20, v8;
	v20 =	vor.u32 $0x9, v7  }
0x6e: {  	v4 =	vsel vm0, v4, v28;
	v16 =	vmul.f32 v16, v16;
	v9 =	vld.idx.msk [tilespmem:v9+s2+$0x0], $0xffff  }
0x6f: {  	v25 =	vmul.f32 v30, v30;
	v10 =	vadd.f32 v24, v10;
	v24 =	vmul.f32 v27, v27  }
0x70: {  	v3 =	vadd.f32 v31, v3;
	v19 =	vmul.f32 v19, v19;
	v27 =	vmul.f32 v33, v33;
	v21 =	vld.idx.msk [tilespmem:v21+s2+$0x0], $0xffff  }
0x71: {  	v8 =	vadd.f32 v25, v8;
	v10 =	vadd.f32 v24, v10;
	v23 =	vld.idx.msk [tilespmem:v23+s2+$0x0], $0xffff;
	v15 =	vtrunc.f32 v15  }
0x72: {  	v24 =	vor.u32 $0x1, v7;
	v25 =	vor.u32 $0x2, v7;
	v20 =	vld.idx.msk [tilespmem:v20+s2+$0x0], $0xffff;
	v15 =	vcvt.f32.s32 v15  }
0x73: {  	v13 =	vmul.f32 v13, v12;
	v11 =	vmul.f32 v11, v9;
	v10 =	vadd.f32 v16, v10  }
0x74: {  	v14 =	vmul.f32 v14, v14;
	v8 =	vadd.f32 v27, v8;
	v27 =	vshll.u32 v15, $0x2  }
0x75: {  	v11 =	vadd.f32 v13, v11;
	v10 =	vadd.f32 v19, v10;
	v16 =	vor.u32 $0x1, v27  }
0x76: {  	v7 =	vld.idx.msk [tilespmem:v7+s2+$0x0], $0xffff;
	v8 =	vadd.f32 v14, v8;
	v28 =	vor.u32 $0x2, v27;
	v13 =	vmul.f32 v23, v21  }
0x77: {  	v14 =	vmul.f32 v26, v26;
	v19 =	vld.idx.msk [tilespmem:v24+s2+$0x0], $0xffff;
	v24 =	vor.u32 $0x3, v27;
	v23 =	vmul.f32 v20, v9  }
0x78: {  	v25 =	vld.idx.msk [tilespmem:v25+s2+$0x0], $0xffff;
	v30 =	vmul.f32 $5.000000000e-01, v20;
	v31 =	vmul.f32 v20, v12;
	v11 =	vadd.f32 v13, v11  }
0x79: {  	v13 =	vmul.f32 v29, v29;
	v29 =	vmul.f32 v20, v21;
	[tilespmem:v27+s13+$0x0] =	vst.idx.add.f32.msk $0xffff, v23  }
0x7a: {  	v11 =	vmul.f32 v11, v30;
	[tilespmem:v16+s13+$0x0] =	vst.idx.add.f32.msk $0xffff, v31  }
0x7b: {  	v10 =	vadd.f32 v14, v10;
	v9 =	vmul.f32 v9, v9;
	[tilespmem:v28+s13+$0x0] =	vst.idx.add.f32.msk $0xffff, v29  }
0x7c: {  	v23 =	vor.u32 $0x4, v6;
	v8 =	vadd.f32 v13, v8;
	v16 =	vmul.f32 v35, v35;
	[tilespmem:v24+s13+$0x0] =	vst.idx.add.f32.msk $0xffff, v11  }
0x7d: {  	v14 =	vor.u32 $0x8, v6;
	v12 =	vmul.f32 v12, v12;
	v9 =	vadd.f32 v9, v10;
	v13 =	vld.idx.msk [tilespmem:v22+s2+$0x0], $0xffff  }
0x7e: {  	vm0 =	vgt.s32 v4, v18;
	v7 =	vmul.f32 v7, v7;
	v8 =	vadd.f32 v16, v8;
	v5 =	vld.idx.msk [tilespmem:v5+s2+$0x0], $0xffff  }
0x7f: {  	v4 =	vsel vm0, v4, v18;
	v9 =	vadd.f32 v12, v9;
	v11 =	vor.u32 $0x5, v6;
	v17 =	vld.idx.msk [tilespmem:v17+s2+$0x0], $0xffff  }
0x80: {  	v12 =	vmul.f32 v19, v19;
	v16 =	vor.u32 $0x9, v6;
	v2 =	vld.idx.msk [tilespmem:v2+s2+$0x0], $0xffff;
	v7 =	vadd.f32 v7, v8  }
0x81: {  	v3 =	vadd.f32 v32, v3;
	vm0 =	vgt.s32 v4, v15;
	v10 =	vld.idx.msk [tilespmem:v23+s2+$0x0], $0xffff  }
0x82: {  	v4 =	vsel vm0, v4, v15;
	v15 =	vor.u32 $0x1, v6;
	v7 =	vadd.f32 v12, v7;
	v12 =	vld.idx.msk [tilespmem:v14+s2+$0x0], $0xffff  }
0x83: {  	v8 =	vmul.f32 v21, v21;
	v14 =	vadd.f32 v20, v3;
	v3 =	vor.u32 $0x2, v6;
	v6 =	vld.idx.msk [tilespmem:v6+s2+$0x0], $0xffff  }
0x84: {  	v18 =	vmul.f32 v25, v25;
	v11 =	vld.idx.msk [tilespmem:v11+s2+$0x0], $0xffff  }
0x85: {  	v8 =	vadd.f32 v8, v9;
	v16 =	vld.idx.msk [tilespmem:v16+s2+$0x0], $0xffff;
	v5 =	vtrunc.f32 v5  }
0x86: {  	v7 =	vadd.f32 v18, v7;
	v18 =	vmul.f32 v2, v2;
	v5 =	vcvt.f32.s32 v5  }
0x87: {  	v17 =	vmul.f32 v17, v2;
	v9 =	vmul.f32 v13, v10  }
0x88: {  	v15 =	vld.idx.msk [tilespmem:v15+s2+$0x0], $0xffff;
	v13 =	vmul.f32 v10, v10;
	v8 =	vadd.f32 v18, v8;
	v19 =	vshll.u32 v5, $0x2  }
0x89: {  	vm0 =	vgt.s32 v4, v5;
	v9 =	vadd.f32 v9, v17;
	v6 =	vmul.f32 v6, v6  }
0x8a: {  	v20 =	vor.u32 $0x1, v19;
	v12 =	vmul.f32 v12, v11;
	v2 =	vmul.f32 v16, v2  }
0x8b: {  	v17 =	vld.idx.msk [tilespmem:v3+s2+$0x0], $0xffff;
	v21 =	vor.u32 $0x2, v19;
	v3 =	vmul.f32 $5.000000000e-01, v16;
	v10 =	vmul.f32 v16, v10  }
0x8c: {  	v8 =	vadd.f32 v13, v8;
	v6 =	vadd.f32 v6, v7;
	v7 =	vmul.f32 v11, v11  }
0x8d: {  	s31 =	simm.s32 $0x30;
	v18 =	vor.u32 $0x3, v19;
	v9 =	vadd.f32 v12, v9;
	[tilespmem:v19+s13+$0x0] =	vst.idx.add.f32.msk $0xffff, v2;
	v2 =	vmul.f32 v15, v15  }
0x8e: {  	s22 =	sshll.u32 s21, $0x1;
	p0 =	seq.s32 s21, $0x7C;
	s24 =	simm.s32 $0x0;
	v22 =	vmul.f32 v16, v11;
	v12 =	vmov s31;
	v11 =	vadd.f32 v7, v8  }
0x8f: {  	s23 =	sadd.s32 @!p0 s22, s6;
	v9 =	vmul.f32 v9, v3;
	v2 =	vadd.f32 v2, v6;
	v6 =	vmov s24  }
0x90: {  	s30 =	simm.s32 $0x20;
	s23 =	smul.u32 @!p0 $0x1900, s23;
	v3 =	vsel vm0, v4, v5;
	v5 =	vmul.f32 v17, v17;
	[tilespmem:v20+s13+$0x0] =	vst.idx.add.f32.msk $0xffff, v10;
	v6 =	vshll.u32 v6, $0x7  }
0x91: {  	v7 =	vmov s30;
	v4 =	vadd.f32 v16, v14;
	[tilespmem:v21+s13+$0x0] =	vst.idx.add.f32.msk $0xffff, v22;
	v21 =	vor.u32 v1, v6  }
0x92: {  	s29 =	simm.s32 $0x10;
	s23 =	sadd.s32 @!p0 s3, s23;
	v7 =	vshll.u32 v7, $0x7;
	s24 =	simm.s32 @!p0 $0x0;
	[tilespmem:v18+s13+$0x0] =	vst.idx.add.f32.msk $0xffff, v9;
	v9 =	vadd.f32 v5, v2;
	v5 =	vor.u32 $0x7, v21  }
0x93: {  	v7 =	vor.u32 v1, v7;
	v2 =	vmov s29;
	[tilespmem:s24], [sflag:$0x1] =	stream.linear.gather @!p0 [hbm4b:s23+s24], $0xC800, $0x38;
	v6 =	vor.u32 $0xA, v21;
	[tilespmem:$0x1A080] =	vst v63  }
0x94: {  	v8 =	vor.u32 $0x3, v7;
	v2 =	vshll.u32 v2, $0x7;
	v17 =	vor.u32 $0x6, v21;
	_ =	swait.ge [sflag:s14], $0xC800  }
0x95: {  	v15 =	vor.u32 $0xA, v7;
	v13 =	vor.u32 v1, v2;
	v2 =	vor.u32 $0x4, v21;
	[sflag:s14] =	ssyncset.done $0x0  }
0x96: {  	v10 =	vor.u32 $0x6, v7;
	v14 =	vor.u32 $0x7, v7;
	v25 =	vor.u32 $0x3, v21;
	[sflag:s14] =	ssyncadd.s32 $0xFFFF3800  }
0x97: {  	v27 =	vor.u32 $0x5, v21;
	v30 =	vor.u32 $0x8, v21;
	v31 =	vor.u32 $0x9, v21;
	v26 =	vld.idx.msk [tilespmem:v5+s11+$0x0], $0xffff  }
0x98: {  	v16 =	vor.u32 $0x3, v13;
	v18 =	vor.u32 $0xA, v13;
	v5 =	vshll.u32 v12, $0x7;
	v28 =	vld.idx.msk [tilespmem:v6+s11+$0x0], $0xffff  }
0x99: {  	v20 =	vor.u32 $0x6, v13;
	v22 =	vor.u32 $0x7, v13;
	v29 =	vld.idx.msk [tilespmem:v17+s11+$0x0], $0xffff;
	v6 =	vor.u32 v1, v5  }
0x9a: {  	v19 =	vor.u32 $0x4, v13;
	v12 =	vor.u32 $0x4, v7;
	v24 =	vld.idx.msk [tilespmem:v2+s11+$0x0], $0xffff;
	v2 =	vor.u32 $0x3, v6  }
0x9b: {  	s23 =	simm.s32 $0x40;
	v25 =	vld.idx.msk [tilespmem:v25+s11+$0x0], $0xffff;
	v5 =	vor.u32 $0xA, v6;
	v17 =	vor.u32 $0x6, v6;
	v23 =	vor.u32 $0x7, v6  }
.LBB2_7:
0x9c: {  	p1 =	sne.s32 s23, $0x180;
	v27 =	vld.idx.msk [tilespmem:v27+s11+$0x0], $0xffff;
	v32 =	vmov v17;
	v17 =	vmov v14;
	v14 =	vmov v23;
	s24 =	smov.u32 s23;
	s23 =	sadd.s32 $0x10, s23  }
0x9d: {  	v23 =	vor.u32 $0x4, v6;
	v33 =	vor.u32 $0x1, v21;
	v30 =	vld.idx.msk [tilespmem:v30+s11+$0x0], $0xffff  }
0x9e: {  	v28 =	vtrunc.f32 v28;
	v31 =	vld.idx.msk [tilespmem:v31+s11+$0x0], $0xffff  }
0x9f: {  	v34 =	vor.u32 $0x2, v21;
	v28 =	vcvt.f32.s32 v28;
	v26 =	vmul.f32 v26, v24  }
0xa0: {  	v36 =	vmul.f32 v24, v24;
	v35 =	vld.idx.msk [tilespmem:v21+s11+$0x0], $0xffff;
	v21 =	vmovc v13;
	v13 =	vmov v7;
	v7 =	vmov v6  }
0xa1: {  	v6 =	vmul.f32 v25, v25;
	v37 =	vshll.u32 v28, $0x2;
	v29 =	vmul.f32 v29, v25  }
0xa2: {  	vm0 =	vgt.s32 v3, v28;
	v38 =	vor.u32 $0x1, v37;
	v39 =	vor.u32 $0x2, v37;
	v33 =	vld.idx.msk [tilespmem:v33+s11+$0x0], $0xffff  }
0xa3: {  	v6 =	vadd.f32 v6, v11;
	v11 =	vadd.f32 v26, v29;
	v26 =	vmul.f32 v30, v27  }
0xa4: {  	v25 =	vmul.f32 v31, v25;
	v30 =	vmul.f32 $5.000000000e-01, v31;
	v29 =	vld.idx.msk [tilespmem:v34+s11+$0x0], $0xffff;
	v34 =	vor.u32 $0x3, v37  }
0xa5: {  	v24 =	vmul.f32 v31, v24;
	v40 =	vmul.f32 v31, v27;
	v11 =	vadd.f32 v26, v11  }
0xa6: {  	v6 =	vadd.f32 v36, v6;
	v26 =	vmul.f32 v35, v35;
	[tilespmem:v37+s13+$0x0] =	vst.idx.add.f32.msk $0xffff, v25  }
0xa7: {  	v25 =	vmul.f32 v27, v27;
	v11 =	vmul.f32 v11, v30;
	[tilespmem:v38+s13+$0x0] =	vst.idx.add.f32.msk $0xffff, v24  }
0xa8: {  	v3 =	vsel vm0, v3, v28;
	v27 =	vor.u32 $0x5, v21;
	v24 =	vmul.f32 v33, v33;
	[tilespmem:v39+s13+$0x0] =	vst.idx.add.f32.msk $0xffff, v40  }
0xa9: {  	v28 =	vmov s24;
	v4 =	vadd.f32 v31, v4;
	v9 =	vadd.f32 v26, v9;
	[tilespmem:v34+s13+$0x0] =	vst.idx.add.f32.msk $0xffff, v11  }
.Ltmp4:
0xaa: {  	v28 =	vshll.u32 v28, $0x7;
	v33 =	vmul.f32 v29, v29;
	v11 =	vadd.f32 v25, v6;
	v26 =	vld.idx.msk [tilespmem:v22+s11+$0x0], $0xffff;
	v22 =	vmovc v17;
	(pc) =	sbr.rel @p1 .LBB2_7-.Ltmp4, $4  }
0xab: {  	v30 =	vor.u32 $0x8, v21;
	v6 =	vor.u32 v1, v28;
	v9 =	vadd.f32 v24, v9;
	v28 =	vld.idx.msk [tilespmem:v18+s11+$0x0], $0xffff;
	v18 =	vmovc v15  }
0xac: {  	v31 =	vor.u32 $0x9, v21;
	v34 =	vor.u32 $0x3, v6;
	v25 =	vor.u32 $0xA, v6;
	v24 =	vld.idx.msk [tilespmem:v19+s11+$0x0], $0xffff;
	v19 =	vmovc v12;
	v12 =	vmovc v23  }
0xad: {  	v17 =	vor.u32 $0x6, v6;
	v9 =	vadd.f32 v33, v9;
	v15 =	vmovc v5;
	v5 =	vmovc v25;
	v23 =	vor.u32 $0x7, v6;
	v29 =	vld.idx.msk [tilespmem:v20+s11+$0x0], $0xffff  }
0xae: {  	v20 =	vmovc v10;
	v10 =	vmovc v32;
	v25 =	vld.idx.msk [tilespmem:v16+s11+$0x0], $0xffff;
	v16 =	vmov v8;
	v8 =	vmov v2;
	v2 =	vmov v34  }
0xaf: {  	_ =	sdelay $0x3  }
0xb0: {  	v27 =	vld.idx.msk [tilespmem:v27+s11+$0x0], $0xffff  }
0xb1: {  	v30 =	vld.idx.msk [tilespmem:v30+s11+$0x0], $0xffff;
	v28 =	vtrunc.f32 v28  }
0xb2: {  	v32 =	vor.u32 $0x1, v21;
	v31 =	vld.idx.msk [tilespmem:v31+s11+$0x0], $0xffff;
	v28 =	vcvt.f32.s32 v28  }
0xb3: {  	v33 =	vor.u32 $0x2, v21  }
0xb4: {  	v26 =	vmul.f32 v26, v24;
	v34 =	vshll.u32 v28, $0x2;
	v29 =	vmul.f32 v29, v25  }
0xb5: {  	v35 =	vor.u32 $0x1, v34  }
0xb6: {  	v21 =	vld.idx.msk [tilespmem:v21+s11+$0x0], $0xffff;
	v36 =	vor.u32 $0x2, v34;
	v52 =	vmul.f32 v30, v27;
	v26 =	vadd.f32 v26, v29  }
0xb7: {  	v30 =	vld.idx.msk [tilespmem:v32+s11+$0x0], $0xffff;
	v53 =	vmul.f32 v31, v25;
	v37 =	vor.u32 $0x3, v34  }
0xb8: {  	v33 =	vld.idx.msk [tilespmem:v33+s11+$0x0], $0xffff;
	v38 =	vmul.f32 $5.000000000e-01, v31;
	v39 =	vmul.f32 v31, v24;
	v26 =	vadd.f32 v52, v26  }
0xb9: {  	v54 =	vmul.f32 v31, v27;
	[tilespmem:v34+s13+$0x0] =	vst.idx.add.f32.msk $0xffff, v53  }
0xba: {  	[tilespmem:v35+s13+$0x0] =	vst.idx.add.f32.msk $0xffff, v39;
	v26 =	vmul.f32 v26, v38  }
0xbb: {  	[tilespmem:v36+s13+$0x0] =	vst.idx.add.f32.msk $0xffff, v54  }
0xbc: {  	[tilespmem:v37+s13+$0x0] =	vst.idx.add.f32.msk $0xffff, v26  }
0xbd: {  	v55 =	vor.u32 $0x5, v13;
	v22 =	vld.idx.msk [tilespmem:v22+s11+$0x0], $0xffff  }
0xbe: {  	v56 =	vor.u32 $0x8, v13;
	v18 =	vld.idx.msk [tilespmem:v18+s11+$0x0], $0xffff  }
0xbf: {  	v57 =	vor.u32 $0x9, v13;
	v19 =	vld.idx.msk [tilespmem:v19+s11+$0x0], $0xffff  }
0xc0: {  	v20 =	vld.idx.msk [tilespmem:v20+s11+$0x0], $0xffff  }
0xc1: {  	v16 =	vld.idx.msk [tilespmem:v16+s11+$0x0], $0xffff  }
0xc2: {  	v26 =	vld.idx.msk [tilespmem:v55+s11+$0x0], $0xffff  }
0xc3: {  	v29 =	vld.idx.msk [tilespmem:v56+s11+$0x0], $0xffff;
	v18 =	vtrunc.f32 v18  }
0xc4: {  	v58 =	vor.u32 $0x1, v13;
	v32 =	vld.idx.msk [tilespmem:v57+s11+$0x0], $0xffff;
	v18 =	vcvt.f32.s32 v18  }
0xc5: {  	v59 =	vor.u32 $0x2, v13  }
0xc6: {  	v22 =	vmul.f32 v22, v19;
	v20 =	vmul.f32 v20, v16;
	v60 =	vshll.u32 v18, $0x2  }
0xc7: {  	v61 =	vor.u32 $0x1, v60  }
0xc8: {  	v13 =	vld.idx.msk [tilespmem:v13+s11+$0x0], $0xffff;
	v63 =	vmul.f32 v29, v26;
	v20 =	vadd.f32 v22, v20;
	v62 =	vor.u32 $0x2, v60  }
0xc9: {  	v44 =	vld.idx.msk [tilespmem:v58+s11+$0x0], $0xffff;
	v45 =	vmul.f32 v32, v16;
	v46 =	vor.u32 $0x3, v60  }
0xca: {  	v35 =	vld.idx.msk [tilespmem:v59+s11+$0x0], $0xffff;
	v40 =	vmul.f32 $5.000000000e-01, v32;
	v47 =	vmul.f32 v32, v19;
	v20 =	vadd.f32 v63, v20  }
0xcb: {  	v48 =	vmul.f32 v32, v26;
	[tilespmem:v60+s13+$0x0] =	vst.idx.add.f32.msk $0xffff, v45  }
0xcc: {  	v20 =	vmul.f32 v20, v40;
	[tilespmem:v61+s13+$0x0] =	vst.idx.add.f32.msk $0xffff, v47  }
0xcd: {  	[tilespmem:v62+s13+$0x0] =	vst.idx.add.f32.msk $0xffff, v48  }
0xce: {  	[tilespmem:v46+s13+$0x0] =	vst.idx.add.f32.msk $0xffff, v20  }
0xcf: {  	v49 =	vor.u32 $0x5, v7;
	v14 =	vld.idx.msk [tilespmem:v14+s11+$0x0], $0xffff  }
0xd0: {  	v51 =	vor.u32 $0x8, v7;
	v15 =	vld.idx.msk [tilespmem:v15+s11+$0x0], $0xffff  }
0xd1: {  	v50 =	vmul.f32 v25, v25;
	v52 =	vor.u32 $0x9, v7;
	v12 =	vld.idx.msk [tilespmem:v12+s11+$0x0], $0xffff  }
0xd2: {  	v21 =	vmul.f32 v21, v21;
	v10 =	vld.idx.msk [tilespmem:v10+s11+$0x0], $0xffff  }
0xd3: {  	vm0 =	vgt.s32 v3, v28;
	v11 =	vadd.f32 v50, v11;
	v53 =	vmul.f32 v24, v24;
	v8 =	vld.idx.msk [tilespmem:v8+s11+$0x0], $0xffff  }
0xd4: {  	v3 =	vsel vm0, v3, v28;
	v9 =	vadd.f32 v21, v9;
	v54 =	vmul.f32 v30, v30;
	v20 =	vld.idx.msk [tilespmem:v49+s11+$0x0], $0xffff  }
0xd5: {  	v11 =	vadd.f32 v53, v11;
	v55 =	vmul.f32 v27, v27;
	v57 =	vld.idx.msk [tilespmem:v51+s11+$0x0], $0xffff;
	v15 =	vtrunc.f32 v15  }
0xd6: {  	v56 =	vmul.f32 v33, v33;
	v58 =	vor.u32 $0x1, v7;
	v59 =	vld.idx.msk [tilespmem:v52+s11+$0x0], $0xffff;
	v15 =	vcvt.f32.s32 v15  }
0xd7: {  	v9 =	vadd.f32 v54, v9;
	v11 =	vadd.f32 v55, v11;
	v60 =	vor.u32 $0x2, v7  }
0xd8: {  	v14 =	vmul.f32 v14, v12;
	v10 =	vmul.f32 v10, v8;
	v61 =	vshll.u32 v15, $0x2  }
0xd9: {  	v9 =	vadd.f32 v56, v9;
	v19 =	vmul.f32 v19, v19;
	v62 =	vor.u32 $0x1, v61  }
0xda: {  	v7 =	vld.idx.msk [tilespmem:v7+s11+$0x0], $0xffff;
	v36 =	vmul.f32 v57, v20;
	v10 =	vadd.f32 v14, v10;
	v63 =	vor.u32 $0x2, v61  }
0xdb: {  	v16 =	vmul.f32 v16, v16;
	v37 =	vld.idx.msk [tilespmem:v58+s11+$0x0], $0xffff;
	v38 =	vmul.f32 v59, v8;
	v39 =	vor.u32 $0x3, v61  }
0xdc: {  	v21 =	vld.idx.msk [tilespmem:v60+s11+$0x0], $0xffff;
	v40 =	vmul.f32 $5.000000000e-01, v59;
	v34 =	vmul.f32 v59, v12;
	v10 =	vadd.f32 v36, v10  }
0xdd: {  	v11 =	vadd.f32 v16, v11;
	v41 =	vmul.f32 v59, v20;
	[tilespmem:v61+s13+$0x0] =	vst.idx.add.f32.msk $0xffff, v38  }
0xde: {  	v13 =	vmul.f32 v13, v13;
	v10 =	vmul.f32 v10, v40;
	[tilespmem:v62+s13+$0x0] =	vst.idx.add.f32.msk $0xffff, v34  }
0xdf: {  	v43 =	vmul.f32 v26, v26;
	v11 =	vadd.f32 v19, v11;
	[tilespmem:v63+s13+$0x0] =	vst.idx.add.f32.msk $0xffff, v41  }
0xe0: {  	v42 =	vor.u32 $0x4, v6;
	v44 =	vmul.f32 v44, v44;
	v9 =	vadd.f32 v13, v9;
	[tilespmem:v39+s13+$0x0] =	vst.idx.add.f32.msk $0xffff, v10  }
0xe1: {  	v4 =	vadd.f32 v31, v4;
	v10 =	vadd.f32 v43, v11;
	v11 =	vor.u32 $0x5, v6;
	v45 =	vld.idx.msk [tilespmem:v23+s11+$0x0], $0xffff  }
0xe2: {  	v9 =	vadd.f32 v44, v9;
	v48 =	vor.u32 $0x9, v6;
	v46 =	vmul.f32 v35, v35;
	v5 =	vld.idx.msk [tilespmem:v5+s11+$0x0], $0xffff  }
0xe3: {  	v53 =	vor.u32 $0x2, v6;
	v47 =	vor.u32 $0x8, v6;
	v8 =	vmul.f32 v8, v8;
	v17 =	vld.idx.msk [tilespmem:v17+s11+$0x0], $0xffff  }
0xe4: {  	vm0 =	vgt.s32 v3, v18;
	v9 =	vadd.f32 v46, v9;
	v7 =	vmul.f32 v7, v7;
	v2 =	vld.idx.msk [tilespmem:v2+s11+$0x0], $0xffff  }
0xe5: {  	v4 =	vadd.f32 v32, v4;
	v3 =	vsel vm0, v3, v18;
	v8 =	vadd.f32 v8, v10;
	v10 =	vld.idx.msk [tilespmem:v42+s11+$0x0], $0xffff  }
0xe6: {  	v12 =	vmul.f32 v12, v12;
	v7 =	vadd.f32 v7, v9;
	v9 =	vld.idx.msk [tilespmem:v11+s11+$0x0], $0xffff;
	v11 =	vor.u32 $0x1, v6  }
0xe7: {  	v49 =	vmul.f32 v37, v37;
	v50 =	vmul.f32 v20, v20;
	v54 =	vadd.f32 v59, v4;
	v52 =	vld.idx.msk [tilespmem:v48+s11+$0x0], $0xffff  }
0xe8: {  	vm0 =	vgt.s32 v3, v15;
	v14 =	vld.idx.msk [tilespmem:v47+s11+$0x0], $0xffff;
	v8 =	vadd.f32 v12, v8;
	v5 =	vtrunc.f32 v5  }
0xe9: {  	v51 =	vmul.f32 v21, v21;
	v3 =	vsel vm0, v3, v15;
	v6 =	vld.idx.msk [tilespmem:v6+s11+$0x0], $0xffff;
	v5 =	vcvt.f32.s32 v5  }
0xea: {  	v7 =	vadd.f32 v49, v7;
	v4 =	vadd.f32 v50, v8;
	v56 =	vmul.f32 v2, v2  }
0xeb: {  	v17 =	vmul.f32 v17, v2;
	v8 =	vmul.f32 v45, v10;
	v57 =	vshll.u32 v5, $0x2;
	v11 =	vld.idx.msk [tilespmem:v11+s11+$0x0], $0xffff  }
0xec: {  	v7 =	vadd.f32 v51, v7;
	v2 =	vmul.f32 v52, v2;
	v63 =	vmul.f32 $5.000000000e-01, v52  }
0xed: {  	v60 =	vld.idx.msk [tilespmem:v53+s11+$0x0], $0xffff;
	v8 =	vadd.f32 v8, v17;
	v58 =	vor.u32 $0x1, v57;
	v14 =	vmul.f32 v14, v9  }
0xee: {  	v55 =	vmul.f32 v10, v10;
	v59 =	vor.u32 $0x2, v57;
	v6 =	vmul.f32 v6, v6  }
0xef: {  	v10 =	vmul.f32 v52, v10;
	v61 =	vor.u32 $0x3, v57;
	v8 =	vadd.f32 v14, v8  }
0xf0: {  	v6 =	vadd.f32 v6, v7;
	[tilespmem:v57+s13+$0x0] =	vst.idx.add.f32.msk $0xffff, v2;
	v2 =	vmul.f32 v11, v11  }
.Ltmp5:
0xf1: {  	v4 =	vadd.f32 v56, v4;
	v62 =	vmul.f32 v52, v9;
	v8 =	vmul.f32 v8, v63;
	(pc) =	sbr.rel @p0 .LBB2_10-.Ltmp5, $4  }
0xf2: {  	[tilespmem:v58+s13+$0x0] =	vst.idx.add.f32.msk $0xffff, v10;
	v11 =	vmul.f32 v60, v60;
	v2 =	vadd.f32 v2, v6  }
0xf3: {  	v9 =	vmul.f32 v9, v9;
	v7 =	vadd.f32 v55, v4;
	[tilespmem:v59+s13+$0x0] =	vst.idx.add.f32.msk $0xffff, v62  }
0xf4: {  	vm0 =	vgt.s32 v3, v5;
	[tilespmem:v61+s13+$0x0] =	vst.idx.add.f32.msk $0xffff, v8;
	v8 =	vadd.f32 v11, v2  }
0xf5: {  	v4 =	vsel vm0, v3, v5;
	v3 =	vadd.f32 v52, v54;
	v10 =	vadd.f32 v9, v7  }
.Ltmp6:
0xf6: {  	s22 =	sadd.s32 s22, s7;
	(pc) =	sbr.rel .LBB2_4-.Ltmp6, $3  }
0xf7: {  	s22 =	smul.u32 $0x1900, s22;
	_ =	sdelay $0x1  }
0xf8: {  	s21 =	sadd.s32 $0x1, s21;
	s22 =	sadd.s32 s3, s22  }
0xf9: {  	[tilespmem:s11], [sflag:$0x2] =	stream.linear.gather [hbm4b:s22+s2], $0xC800, $0x38;
	[tilespmem:$0x1A080] =	vst v63  }
.LBB2_11:
0xfa: {  	_ =	sfence.sel $0x180000  }
0xfb: {  	[bflag:$0x0] =	sbarrier.arrive $0xFFFF  }
0xfc: {  	p0 =	sne.s32 s1, $0x0;
	_ =	strace $0x90000047  }
0xfd: {  	s0 =	sadd.s32 @!p0 $0x100000, s0;
	[bflag:$0x2] =	sbarrier.arrive $0xFFFF  }
0xfe: {  	[sflag:s0] =	ssyncadd.tile.s32 @!p0 $0x1;
	_ =	shalt  }
.Lfunc_end2:
_tile_overlayer_lowered:
.L_overlay_start_2:
0xff: {  	(tag) =	ssettag $0x2  }
0x100: {  	s0 =	rddreg [dreg:$0x0];
	s2 =	stileid.u32  }
0x101: {  	s1 =	rddreg [dreg:$0x1];
	p0 =	sne.s32 s2, $0x0  }
0x102: {  	s3 =	rddreg [dreg:$0x2];
	[bflag:$0x3] =	sbarrier.arrive $0xFFFF;
	s2 =	simm.s32 @!p0 $0x1C03  }
0x103: {  	[timem:s3], [sflag:s2] =	dma.local @!p0 [hbm:s0], s1  }
0x104: {  	s0 =	simm.s32 @!p0 $0x3  }
0x105: {  	_ =	swait.ge @!p0 [sflag:s0], s1  }
0x106: {  	s1 =	ssub.s32 @!p0 $0x0, s1;
	[sflag:s0] =	ssyncset.done @!p0 $0x0  }
0x107: {  	[sflag:s0] =	ssyncadd.s32 @!p0 s1  }
0x108: {  	[bflag:$0x3] =	sbarrier.arrive $0xFFFF  }
0x109: {  	_ =	shalt  }

// kernel: physics_loss_sc.7.cloned.1.call-start
scs
__scs_entry_jumppad:
0x0: {  	(pc) =	sbr.rel $0x88, $3  }
0x1: {  	(tag) =	ssettag $0x0;
	lr =	simm.s32 $0x1  }
0x2: {  	[smem:$0x3F9D] =	sst lr;
	_ =	strace $0xD0000000  }
0x3: {  	_ = 	snop  }
0x4: {  	_ = 	snop  }
0x5: {  	_ = 	snop  }
0x6: {  	_ = 	snop  }
0x7: {  	_ = 	snop  }
__scs_overlays_trampoline_lowered:
0x8: {  	[smem:$0x3FAC] =	sst s0  }
0x9: {  	[smem:$0x3FAD] =	sst s1  }
0xa: {  	[smem:$0x3FAE] =	sst s2  }
0xb: {  	[smem:$0x3FAF] =	sst s3  }
0xc: {  	[smem:$0x3FB0] =	sst s4  }
0xd: {  	[smem:$0x3FB1] =	sst s5  }
0xe: {  	[smem:$0x3FB2] =	sst s6  }
0xf: {  	[smem:$0x3FB3] =	sst s7  }
0x10: {  	[smem:$0x3FB4] =	sst s8  }
0x11: {  	[smem:$0x3FB5] =	sst s9;
	s0 =	simm.s32 @!p0 $0x0  }
0x12: {  	s1 =	sld [smem:$0x3F9B];
	s0 =	simm.s32 @p0 $0x1  }
0x13: {  	[smem:$0x3FB6] =	sst s0;
	s0 =	simm.s32 @!p1 $0x0  }
0x14: {  	s2 =	sld [smem:$0x3F9A];
	s0 =	simm.s32 @p1 $0x1  }
0x15: {  	[smem:$0x3FB7] =	sst s0;
	s0 =	simm.s32 @!p2 $0x0  }
0x16: {  	s3 =	sld [smem:$0x3FDB];
	s0 =	simm.s32 @p2 $0x1  }
0x17: {  	s4 =	simm.s32 $0x1BF5;
	[smem:$0x3FB9] =	sst s0  }
0x18: {  	s0 =	sld [smem:$0x3F9C];
	_ =	swait.ge [sflag:s4], $0x0  }
0x19: {  	s7 =	sld [smem:$0x3F9D]  }
0x1a: {  	s8 =	sadd.s32 $0xFFFFE003, lr  }
0x1b: {  	s9 =	sadd.s32 $0xFFFFFEF7, lr;
	s5 =	simm.s32 $0xFFFFFFFF;
	p2 =	slt.u32 s8, $0xFFFFF086  }
0x1c: {  	p1 =	slt.u32 s9, $0xF7A;
	s5 =	simm.s32 @!p2 $0x0  }
0x1d: {  	s5 =	simm.s32 @p1 $0x1;
	p0 =	seq.s32 s7, s2  }
0x1e: {  	s7 =	smul.u32 @!p0 $0xF7A, s2;
	p2 =	seq.s32 @!p0 s5, $0x0  }
0x1f: {  	s9 =	smul.u32 $0xF7A, s1;
	s8 =	simm.s32 @!p0 $0x1BF5;
	p2 =	por !p2, p0  }
0x20: {  	[sflag:s8] =	ssyncset.s32 @!p0 $0xFFFFF086;
	s6 =	sadd.s32 @!p0 s3, s7;
	s7 =	simm.s32 @!p0 $0x108  }
0x21: {  	s3 =	sadd.s32 s3, s9;
	s6 =	sadd.s32 @!p0 $0x88, s6;
	s7 =	simm.s32 @p2 $0x1082  }
0x22: {  	[simem:s7], [sflag:s8] =	dma.local @!p0 [hbm:s6], $0xF7A  }
0x23: {  	s9 =	sor.u32 $0xD0000000, s2;
	s6 =	simm.s32 $0x108;
	_ =	swait.ge @!p0 [sflag:s8], $0x0  }
0x24: {  	s3 =	sadd.s32 $0x88, s3;
	s6 =	simm.s32 @!p1 $0x1082;
	[sflag:s4] =	ssyncset.s32 $0xFFFFF086  }
0x25: {  	[simem:s6], [sflag:s4] =	dma.local [hbm:s3], $0xF7A  }
0x26: {  	[smem:$0x3F9D] =	sst s1;
	(tag) =	ssettag s2;
	_ =	strace s9  }
0x27: {  	s1 =	sld [smem:$0x3FAD]  }
0x28: {  	s2 =	sld [smem:$0x3FAE]  }
0x29: {  	s4 =	sld [smem:$0x3FB0]  }
0x2a: {  	p0 =	seq.s32 s5, $0x0;
	s5 =	sld [smem:$0x3FB1]  }
0x2b: {  	s6 =	sld [smem:$0x3FB2]  }
0x2c: {  	s7 =	sld [smem:$0x3FB3]  }
0x2d: {  	s3 =	simm.s32 $0x108;
	s8 =	sld [smem:$0x3FB4]  }
0x2e: {  	s3 =	simm.s32 @!p0 $0x1082;
	s9 =	sld [smem:$0x3FB5]  }
0x2f: {  	lr =	sadd.s32 s0, s3;
	s0 =	sld [smem:$0x3FAC]  }
0x30: {  	s3 =	sld [smem:$0x3FAF]  }
0x31: {  	[smem:$0x3FB8] =	sst s10  }
0x32: {  	s10 =	sld [smem:$0x3FB6];
	_ =	sdelay $0x3  }
0x33: {  	p0 =	seq.s32 s10, $0x1;
	s10 =	sld [smem:$0x3FB8];
	_ =	sdelay $0x3  }
0x34: {  	[smem:$0x3FB8] =	sst s10  }
0x35: {  	s10 =	sld [smem:$0x3FB7];
	_ =	sdelay $0x3  }
0x36: {  	p1 =	seq.s32 s10, $0x1;
	s10 =	sld [smem:$0x3FB8];
	_ =	sdelay $0x3  }
0x37: {  	[smem:$0x3FB8] =	sst s10  }
0x38: {  	s10 =	sld [smem:$0x3FB9]  }
0x39: {  	_ = 	snop;
	(pc) =	sbr.ind lr, $3  }
0x3a: {  	_ = 	snop  }
0x3b: {  	_ = 	snop  }
0x3c: {  	p2 =	seq.s32 s10, $0x1;
	s10 =	sld [smem:$0x3FB8]  }
0x3d: {  	_ =	shalt  }
0x3e: {  	_ =	shalt  }
0x3f: {  	_ =	shalt  }
0x40: {  	_ =	shalt  }
0x41: {  	_ =	shalt  }
0x42: {  	_ =	shalt  }
0x43: {  	_ =	shalt  }
0x44: {  	_ =	shalt  }
0x45: {  	_ =	shalt  }
0x46: {  	_ =	shalt  }
0x47: {  	_ =	shalt  }
0x48: {  	_ =	shalt  }
0x49: {  	_ =	shalt  }
0x4a: {  	_ =	shalt  }
0x4b: {  	_ =	shalt  }
0x4c: {  	_ =	shalt  }
0x4d: {  	_ =	shalt  }
0x4e: {  	_ =	shalt  }
0x4f: {  	_ =	shalt  }
0x50: {  	_ =	shalt  }
0x51: {  	_ =	shalt  }
0x52: {  	_ =	shalt  }
0x53: {  	_ =	shalt  }
0x54: {  	_ =	shalt  }
0x55: {  	_ =	shalt  }
0x56: {  	_ =	shalt  }
0x57: {  	_ =	shalt  }
0x58: {  	_ =	shalt  }
0x59: {  	_ =	shalt  }
0x5a: {  	_ =	shalt  }
0x5b: {  	_ =	shalt  }
0x5c: {  	_ =	shalt  }
0x5d: {  	_ =	shalt  }
0x5e: {  	_ =	shalt  }
0x5f: {  	_ =	shalt  }
0x60: {  	_ =	shalt  }
0x61: {  	_ =	shalt  }
0x62: {  	_ =	shalt  }
0x63: {  	_ =	shalt  }
0x64: {  	_ =	shalt  }
0x65: {  	_ =	shalt  }
0x66: {  	_ =	shalt  }
0x67: {  	_ =	shalt  }
0x68: {  	_ =	shalt  }
0x69: {  	_ =	shalt  }
0x6a: {  	_ =	shalt  }
0x6b: {  	_ =	shalt  }
0x6c: {  	_ =	shalt  }
0x6d: {  	_ =	shalt  }
0x6e: {  	_ =	shalt  }
0x6f: {  	_ =	shalt  }
0x70: {  	_ =	shalt  }
0x71: {  	_ =	shalt  }
0x72: {  	_ =	shalt  }
0x73: {  	_ =	shalt  }
0x74: {  	_ =	shalt  }
0x75: {  	_ =	shalt  }
0x76: {  	_ =	shalt  }
0x77: {  	_ =	shalt  }
0x78: {  	_ =	shalt  }
0x79: {  	_ =	shalt  }
0x7a: {  	_ =	shalt  }
0x7b: {  	_ =	shalt  }
0x7c: {  	_ =	shalt  }
0x7d: {  	_ =	shalt  }
0x7e: {  	_ =	shalt  }
0x7f: {  	_ =	shalt  }
0x80: {  	_ =	shalt  }
0x81: {  	_ =	shalt  }
0x82: {  	_ =	shalt  }
0x83: {  	_ =	shalt  }
0x84: {  	_ =	shalt  }
0x85: {  	_ =	shalt  }
0x86: {  	_ =	shalt  }
0x87: {  	_ =	shalt  }
.Lfunc_end0:
.L_simem_size_0:
called_computation.1_lowered:
.L_overlay_start_0:
0x88: {  	s2 =	sld [smem:$0x3FD9]  }
0x89: {  	s3 =	sld [smem:$0x3FFE];
	_ =	sdelay $0x1  }
0x8a: {  	s1 =	srdreg.scid  }
0x8b: {  	s0 =	sand.u32 $0x1, s1  }
0x8c: {  	s17 =	sshll.u32 s0, $0xA;
	s2 =	sadd.s32 s3, s2  }
0x8d: {  	s2 =	sadd.s32 s2, s17  }
0x8e: {  	[smem:$0x3FC4] =	sst s2  }
0x8f: {  	_ = 	snop  }
0x90: {  	(tm) =	ssettm $0x1  }
0x91: {  	s18 =	sld [smem:$0x3FFB];
	_ =	sdelay $0x3  }
0x92: {  	_ =	strace s18  }
0x93: {  	s2 =	sld [smem:$0x3FFC];
	_ =	sdelay $0x3  }
0x94: {  	_ =	strace s2  }
0x95: {  	s2 =	sld [smem:$0x3FFD];
	_ =	sdelay $0x3  }
0x96: {  	_ =	strace s2  }
0x97: {  	_ =	strace $0x8FFFFFFF  }
0x98: {  	s19 =	sld [smem:$0x3FDB];
	_ =	sdelay $0x1  }
0x99: {  	s20 =	simm.s32 $_scs_section_size  }
0x9a: {  	s4 =	simm.s32 $_size__tile_overlayer_lowered;
	s5 =	simm.s32 $_tile_overlayer_lowered  }
0x9b: {  	s6 =	simm.s32 $0x1BFF;
	s21 =	sshll.u32 s5, $0x1;
	s3 =	sadd.s32 s20, s19  }
0x9c: {  	s22 =	simm.s32 $0x0;
	s4 =	sshll.u32 s4, $0x1;
	s5 =	sadd.s32 s21, s3  }
0x9d: {  	[timem:s22], [sflag:s6] =	dma.local [hbm:s5], s4  }
0x9e: {  	_ =	swait.ge [sflag:s6], s4  }
0x9f: {  	s4 =	ssub.s32 $0x0, s4;
	[sflag:s6] =	ssyncset.done $0x0  }
0xa0: {  	[sflag:s6] =	ssyncadd.s32 s4;
	_ =	sdelay $0x1  }
0xa1: {  	s23 =	simm.s32 $0x1B8B  }
0xa2: {  	_ =	swait.ge [sflag:s23], $0x1  }
0xa3: {  	[sflag:s23] =	ssyncset.done $0x0  }
0xa4: {  	[sflag:s23] =	ssyncadd.s32 $0xFFFFFFFF  }
0xa5: {  	s4 =	sld [smem:$0x0]  }
0xa6: {  	s5 =	sand.u32 $0xFFFFFFFE, s1  }
0xa7: {  	p0 =	sne.s32 s1, s5  }
0xa8: {  	s5 =	sshll.u32 @p0 s5, $0xE  }
0xa9: {  	s5 =	sadd.s32 @p0 $0x11B8D, s5;
	s6 =	sshll.u32 @p0 s4, $0x11  }
0xaa: {  	s5 =	sor.u32 @p0 s6, s5  }
0xab: {  	[sflag:s5] =	ssyncadd.remote.s32 @p0 $0x1;
	_ =	sdelay $0x1  }
0xac: {  	s5 =	simm.s32 @p0 $0x1B8D  }
0xad: {  	_ =	swait.eq @p0 [sflag:s5], $0x1  }
0xae: {  	[sflag:s5] =	ssyncadd.s32 @p0 $0xFFFFFFFF  }
0xaf: {  	s6 =	sshll.u32 @!p0 s1, $0xE  }
0xb0: {  	s6 =	sor.u32 @!p0 $0x4000, s6;
	s5 =	simm.s32 @!p0 $0x1B8D  }
0xb1: {  	s4 =	sshll.u32 @!p0 s4, $0x11;
	s6 =	sadd.s32 @!p0 $0x11B8D, s6;
	_ =	swait.eq @!p0 [sflag:s5], $0x1  }
0xb2: {  	s4 =	sor.u32 @!p0 s4, s6;
	[sflag:s5] =	ssyncadd.s32 @!p0 $0xFFFFFFFF  }
0xb3: {  	s25 =	simm.s32 $0x1B8E;
	s24 =	sld [smem:$0x3FFE];
	[sflag:s4] =	ssyncadd.remote.s32 @!p0 $0x1  }
0xb4: {  	s26 =	simm.s32 $execute0_lowered;
	[smem:$0x3FD2] =	sst s25  }
0xb5: {  	s5 =	sshll.u32 s26, $0x1;
	_ =	strace $0x80000049;
	[dreg:$0x1] =	wrdreg $0xFFFFFFFF  }
0xb6: {  	s28 =	simm.s32 $_size_execute0_lowered;
	s3 =	sadd.s32 s3, s5;
	[dreg:$0x0] =	wrdreg $0x0  }
0xb7: {  	s5 =	sshll.u32 s28, $0x1;
	[dreg:$0x2] =	wrdreg s3  }
0xb8: {  	[dreg:$0x3] =	wrdreg s5  }
0xb9: {  	[dreg:$0x4] =	wrdreg $0xC0  }
0xba: {  	_ =	task [dreg:s22], $0x5FFFF  }
0xbb: {  	[dreg:$0x1] =	wrdreg $0xFFFFFFFF  }
0xbc: {  	[dreg:$0x0] =	wrdreg $0x60  }
0xbd: {  	[dreg:$0x2] =	wrdreg s24  }
0xbe: {  	[dreg:$0x3] =	wrdreg $0xA  }
0xbf: {  	_ =	task.clear_ibuf [dreg:s22], $0x4FFFF;
	_ =	strace $0x90000049  }
0xc0: {  	s29 =	simm.s32 $0xA;
	_ =	strace $0x8000004B  }
0xc1: {  	_ =	swait.ge [sflag:s29], $0x1  }
0xc2: {  	[sflag:s29] =	ssyncadd.s32 $0xFFFFFFFF  }
0xc3: {  	_ =	strace $0x9000004B  }
0xc4: {  	_ =	sfence  }
0xc5: {  	s30 =	sld [smem:$0x0];
	_ =	sdelay $0x2  }
0xc6: {  	s31 =	sshll.u32 s1, $0xD;
	s1 =	sshrl.u32 s1, $0x2  }
0xc7: {  	s4 =	sand.u32 $0x4000, s31;
	s1 =	sadd.s32 s1, s30  }
0xc8: {  	s0 =	sor.u32 s4, s0;
	s1 =	sshll.u32 s1, $0x11  }
0xc9: {  	s0 =	sor.u32 s1, s0  }
0xca: {  	s0 =	sadd.s32 $0x8F2B, s0  }
0xcb: {  	[sflag:s0] =	ssyncadd.remote.s32 $0x1  }
0xcc: {  	_ =	sfence.sel $0xFFFF  }
0xcd: {  	[dreg:$0x0] =	wrdreg $0xFFFFFFFF;
	(pc) =	sbr.abs _section_cstart, $3  }
0xce: {  	[dreg:$0x1] =	wrdreg $0xFFFFFFFF  }
0xcf: {  	_ =	task.clear_ibuf [dreg:s22], $0x2FFFF;
	_ =	strace $0x9FFFFFFF  }
0xd0: {  	(tm) =	ssettm $0x7FFFFFFF  }
0xd1: {  	_ =	shalt  }
tec
execute0_lowered:
.L_overlay_start_1:
0x0: {  	(tag) =	ssettag $0x1  }
0x1: {  	s4 =	rddreg [dreg:$0x0]  }
0x2: {  	s0 =	rddreg [dreg:$0x1];
	s2 =	simm.s32 $0x0  }
0x3: {  	s3 =	srdreg.scid;
	s1 =	stileid.u32;
	s13 =	simm.s32 $0x19000  }
0x4: {  	s14 =	simm.s32 $0x2;
	s15 =	simm.s32 $0x80;
	s16 =	simm.s32 $0x400  }
0x5: {  	s17 =	simm.s32 $0x3;
	s18 =	simm.s32 $0x1A000;
	s19 =	simm.s32 $0x0  }
0x6: {  	s5 =	sand.u32 $0x1, s3;
	s6 =	sshll.u32 s1, $0x1;
	s10 =	sshrl.u32 s1, $0x2  }
0x7: {  	s3 =	sadd.s32 $0x46F5800, s4;
	s6 =	sor.u32 s5, s6;
	s24 =	smul.u32 $0x8400, s10  }
0x8: {  	[smem:$0x7FF] =	sst s2;
	s9 =	sadd.s32 $0x5600, s4;
	s23 =	smul.u32 $0x186A00, s6  }
0x9: {  	_ =	strace $0x8000004A;
	s22 =	ssub.s32 $0x2, s5;
	s8 =	smul.u32 $0xC35000, s6  }
0xa: {  	s7 =	sshrl.u32 s22, $0x1;
	s25 =	sshll.u32 s6, $0x7;
	s26 =	smul.u32 $0xFA, s6  }
0xb: {  	s11 =	ssub.s32 s22, s7;
	s29 =	sand.u32 $0x380, s25;
	s28 =	sshrl.u32 s8, $0x3  }
.Ltmp0:
0xc: {  	s4 =	sadd.s32 s3, s23;
	s8 =	sor.u32 s24, s29;
	(pc) =	sbr.rel .LBB2_1-.Ltmp0, $4  }
0xd: {  	s6 =	sadd.s32 $0x2, s26;
	s7 =	sadd.s32 $0x3, s26;
	s10 =	smax.u32 s11, $0x1  }
0xe: {  	s11 =	simm.s32 $0xC800;
	s30 =	sadd.s32 s3, s28;
	s12 =	sadd.s32 $0x8000, s8  }
0xf: {  	v1 =	vlaneseq.u32;
	s8 =	sshrl.u32 s8, $0x3;
	s5 =	sadd.s32 $0x1900, s30;
	s31 =	sshrl.u32 s12, $0x3  }
0x10: {  	v0 =	vimm.f32 $0.0e+00;
	v1 =	vmul.u32 $0x80, v1;
	s8 =	sadd.s32 s9, s8;
	s12 =	simm.s32 $0x1;
	s9 =	sadd.s32 s9, s31  }
.LBB2_10:
0x11: {  	[tilespmem:$0x1A000] =	vst v8  }
0x12: {  	[tilespmem:$0x1A010] =	vst v10  }
0x13: {  	[tilespmem:$0x1A020] =	vst v3  }
0x14: {  	[tilespmem:$0x1A040] =	vst v0  }
0x15: {  	[tilespmem:$0x1A050] =	vst v0  }
0x16: {  	v2 =	vcvt.s32.f32 v4;
	[tilespmem:$0x1A060] =	vst v0  }
0x17: {  	[tilespmem:$0x1A070] =	vst v0  }
0x18: {  	[tilespmem:$0x1A030] =	vst v2  }
0x19: {  	[hbm4b:s8+s15] =	stream.strided.scatter [tilespmem:s13], [sflag:$0x3], $0x1000, s16, s15, $0x38;
	[tilespmem:$0x1A080] =	vst v63  }
0x1a: {  	s19 =	sadd.s32 $0x1, s19;
	_ =	swait.ge [sflag:s17], $0x1000  }
0x1b: {  	p0 =	sne.s32 s19, s10;
	[sflag:s17] =	ssyncset.done $0x0  }
.Ltmp1:
0x1c: {  	[sflag:s17] =	ssyncadd.s32 $0xFFFFF000;
	(pc) =	sbr.rel @!p0 .LBB2_11-.Ltmp1, $4  }
0x1d: {  	[hbm4b:s9+s2] =	stream.linear.scatter [tilespmem:s18], [sflag:$0x3], $0x80, $0x38;
	[tilespmem:$0x1A080] =	vst v63  }
0x1e: {  	_ =	swait.ge [sflag:s17], $0x80  }
0x1f: {  	[sflag:s17] =	ssyncset.done $0x0  }
0x20: {  	[sflag:s17] =	ssyncadd.s32 $0xFFFFFF80  }
.LBB2_1:
0x21: {  	s20 =	simm.s32 $0x40;
	s21 =	simm.s32 $0x0  }
.LBB2_2:
0x22: {  	p0 =	sne.s32 s20, $0x3FC0;
	[tilespmem:s21+$0x19000] =	vst v0;
	s21 =	smov.u32 s20;
	s20 =	sadd.s32 $0x40, s20  }
.Ltmp2:
0x23: {  	(pc) =	sbr.rel @p0 .LBB2_2-.Ltmp2, $2  }
0x24: {  	_ =	sdelay $0x2  }
0x25: {  	s21 =	sshra.s32 s21, $0x2  }
0x26: {  	[tilespmem:s21+$0x19000] =	vst v0;
	s20 =	simm.s32 $0x0  }
0x27: {  	[tilespmem:s20], [sflag:$0x1] =	stream.linear.gather [hbm4b:s4+s20], $0xC800, $0x38;
	[tilespmem:$0x1A080] =	vst v63  }
0x28: {  	v3 =	vimm.f32 $0.0e+00;
	s21 =	simm.s32 $0x0  }
0x29: {  	v4 =	vimm.s32 $0xFFFFFFFF;
	v10 =	vimm.f32 $0.0e+00;
	v8 =	vimm.f32 $0.0e+00;
	[tilespmem:s11], [sflag:$0x2] =	stream.linear.gather [hbm4b:s5+s20], $0xC800, $0x38;
	[tilespmem:$0x1A080] =	vst v63  }
.LBB2_4:
0x2a: {  	v2 =	vmov s20  }
0x2b: {  	s30 =	simm.s32 $0x20;
	v2 =	vshll.u32 v2, $0x7  }
0x2c: {  	s22 =	simm.s32 $0x10;
	s31 =	simm.s32 $0x30;
	v7 =	vmov s30;
	v21 =	vor.u32 v1, v2  }
0x2d: {  	v12 =	vmov s31;
	v2 =	vmov s22;
	v5 =	vor.u32 $0x7, v21  }
0x2e: {  	v7 =	vshll.u32 v7, $0x7;
	v25 =	vor.u32 $0x3, v21;
	v6 =	vor.u32 $0xA, v21  }
0x2f: {  	_ =	swait.ge [sflag:s12], $0xC800;
	v2 =	vshll.u32 v2, $0x7;
	v17 =	vor.u32 $0x6, v21;
	v7 =	vor.u32 v1, v7  }
0x30: {  	[sflag:s12] =	ssyncset.done $0x0;
	v27 =	vor.u32 $0x5, v21;
	v14 =	vor.u32 v1, v2;
	v2 =	vor.u32 $0x4, v21  }
0x31: {  	[sflag:s12] =	ssyncadd.s32 $0xFFFF3800;
	v30 =	vor.u32 $0x8, v21;
	v31 =	vor.u32 $0x9, v21;
	v9 =	vor.u32 $0x3, v7  }
0x32: {  	v15 =	vor.u32 $0xA, v7;
	v11 =	vor.u32 $0x6, v7;
	v13 =	vor.u32 $0x7, v7;
	v26 =	vld.idx.msk [tilespmem:v5+s2+$0x0], $0xffff  }
0x33: {  	v16 =	vor.u32 $0x3, v14;
	v18 =	vor.u32 $0xA, v14;
	v5 =	vshll.u32 v12, $0x7;
	v28 =	vld.idx.msk [tilespmem:v6+s2+$0x0], $0xffff  }
0x34: {  	v20 =	vor.u32 $0x6, v14;
	v23 =	vor.u32 $0x7, v14;
	v29 =	vld.idx.msk [tilespmem:v17+s2+$0x0], $0xffff;
	v6 =	vor.u32 v1, v5  }
0x35: {  	v19 =	vor.u32 $0x4, v14;
	v12 =	vor.u32 $0x4, v7;
	v24 =	vld.idx.msk [tilespmem:v2+s2+$0x0], $0xffff;
	v2 =	vor.u32 $0x3, v6  }
0x36: {  	s22 =	simm.s32 $0x40;
	v25 =	vld.idx.msk [tilespmem:v25+s2+$0x0], $0xffff;
	v5 =	vor.u32 $0xA, v6;
	v17 =	vor.u32 $0x6, v6;
	v22 =	vor.u32 $0x7, v6  }
.LBB2_5:
0x37: {  	p0 =	sne.s32 s22, $0x180;
	v27 =	vld.idx.msk [tilespmem:v27+s2+$0x0], $0xffff;
	v32 =	vmov v17;
	v17 =	vmov v13;
	v13 =	vmov v22;
	s23 =	smov.u32 s22;
	s22 =	sadd.s32 $0x10, s22  }
0x38: {  	v22 =	vor.u32 $0x4, v6;
	v33 =	vor.u32 $0x1, v21;
	v30 =	vld.idx.msk [tilespmem:v30+s2+$0x0], $0xffff  }
0x39: {  	v28 =	vtrunc.f32 v28;
	v31 =	vld.idx.msk [tilespmem:v31+s2+$0x0], $0xffff  }
0x3a: {  	v34 =	vor.u32 $0x2, v21;
	v28 =	vcvt.f32.s32 v28;
	v26 =	vmul.f32 v26, v24  }
0x3b: {  	v36 =	vmul.f32 v24, v24;
	v35 =	vld.idx.msk [tilespmem:v21+s2+$0x0], $0xffff;
	v21 =	vmovc v14;
	v14 =	vmov v7;
	v7 =	vmov v6  }
0x3c: {  	v6 =	vmul.f32 v25, v25;
	v37 =	vshll.u32 v28, $0x2;
	v29 =	vmul.f32 v29, v25  }
0x3d: {  	vm0 =	vgt.s32 v4, v28;
	v38 =	vor.u32 $0x1, v37;
	v39 =	vor.u32 $0x2, v37;
	v33 =	vld.idx.msk [tilespmem:v33+s2+$0x0], $0xffff  }
0x3e: {  	v6 =	vadd.f32 v6, v10;
	v10 =	vadd.f32 v26, v29;
	v26 =	vmul.f32 v30, v27  }
0x3f: {  	v25 =	vmul.f32 v31, v25;
	v30 =	vmul.f32 $5.000000000e-01, v31;
	v29 =	vld.idx.msk [tilespmem:v34+s2+$0x0], $0xffff;
	v34 =	vor.u32 $0x3, v37  }
0x40: {  	v24 =	vmul.f32 v31, v24;
	v40 =	vmul.f32 v31, v27;
	v10 =	vadd.f32 v26, v10  }
0x41: {  	v6 =	vadd.f32 v36, v6;
	v26 =	vmul.f32 v35, v35;
	[tilespmem:v37+s13+$0x0] =	vst.idx.add.f32.msk $0xffff, v25  }
0x42: {  	v25 =	vmul.f32 v27, v27;
	v10 =	vmul.f32 v10, v30;
	[tilespmem:v38+s13+$0x0] =	vst.idx.add.f32.msk $0xffff, v24  }
0x43: {  	v4 =	vsel vm0, v4, v28;
	v27 =	vor.u32 $0x5, v21;
	v24 =	vmul.f32 v33, v33;
	[tilespmem:v39+s13+$0x0] =	vst.idx.add.f32.msk $0xffff, v40  }
0x44: {  	v28 =	vmov s23;
	v3 =	vadd.f32 v31, v3;
	v8 =	vadd.f32 v26, v8;
	[tilespmem:v34+s13+$0x0] =	vst.idx.add.f32.msk $0xffff, v10  }
.Ltmp3:
0x45: {  	v28 =	vshll.u32 v28, $0x7;
	v33 =	vmul.f32 v29, v29;
	v10 =	vadd.f32 v25, v6;
	v26 =	vld.idx.msk [tilespmem:v23+s2+$0x0], $0xffff;
	v23 =	vmovc v17;
	(pc) =	sbr.rel @p0 .LBB2_5-.Ltmp3, $4  }
0x46: {  	v30 =	vor.u32 $0x8, v21;
	v6 =	vor.u32 v1, v28;
	v8 =	vadd.f32 v24, v8;
	v28 =	vld.idx.msk [tilespmem:v18+s2+$0x0], $0xffff;
	v18 =	vmovc v15  }
0x47: {  	v31 =	vor.u32 $0x9, v21;
	v34 =	vor.u32 $0x3, v6;
	v25 =	vor.u32 $0xA, v6;
	v24 =	vld.idx.msk [tilespmem:v19+s2+$0x0], $0xffff;
	v19 =	vmovc v12;
	v12 =	vmovc v22  }
0x48: {  	v17 =	vor.u32 $0x6, v6;
	v8 =	vadd.f32 v33, v8;
	v15 =	vmovc v5;
	v5 =	vmovc v25;
	v22 =	vor.u32 $0x7, v6;
	v29 =	vld.idx.msk [tilespmem:v20+s2+$0x0], $0xffff  }
0x49: {  	v20 =	vmovc v11;
	v11 =	vmovc v32;
	v25 =	vld.idx.msk [tilespmem:v16+s2+$0x0], $0xffff;
	v16 =	vmov v9;
	v9 =	vmov v2;
	v2 =	vmov v34  }
0x4a: {  	_ =	sdelay $0x3  }
0x4b: {  	v27 =	vld.idx.msk [tilespmem:v27+s2+$0x0], $0xffff  }
0x4c: {  	v30 =	vld.idx.msk [tilespmem:v30+s2+$0x0], $0xffff;
	v28 =	vtrunc.f32 v28  }
0x4d: {  	v31 =	vld.idx.msk [tilespmem:v31+s2+$0x0], $0xffff;
	v33 =	vor.u32 $0x2, v21;
	v28 =	vcvt.f32.s32 v28  }
0x4e: {  	v32 =	vor.u32 $0x1, v21  }
0x4f: {  	v26 =	vmul.f32 v26, v24;
	v34 =	vshll.u32 v28, $0x2;
	v29 =	vmul.f32 v29, v25  }
0x50: {  	v35 =	vor.u32 $0x1, v34  }
0x51: {  	v21 =	vld.idx.msk [tilespmem:v21+s2+$0x0], $0xffff;
	v36 =	vor.u32 $0x2, v34;
	v26 =	vadd.f32 v26, v29;
	v29 =	vmul.f32 v30, v27  }
0x52: {  	v54 =	vmul.f32 v31, v25;
	v37 =	vor.u32 $0x3, v34;
	v33 =	vld.idx.msk [tilespmem:v33+s2+$0x0], $0xffff  }
0x53: {  	v38 =	vmul.f32 $5.000000000e-01, v31;
	v39 =	vmul.f32 v31, v24;
	v30 =	vld.idx.msk [tilespmem:v32+s2+$0x0], $0xffff;
	v26 =	vadd.f32 v29, v26  }
0x54: {  	v29 =	vmul.f32 v31, v27;
	[tilespmem:v34+s13+$0x0] =	vst.idx.add.f32.msk $0xffff, v54  }
0x55: {  	[tilespmem:v35+s13+$0x0] =	vst.idx.add.f32.msk $0xffff, v39;
	v26 =	vmul.f32 v26, v38  }
0x56: {  	[tilespmem:v36+s13+$0x0] =	vst.idx.add.f32.msk $0xffff, v29  }
0x57: {  	[tilespmem:v37+s13+$0x0] =	vst.idx.add.f32.msk $0xffff, v26  }
0x58: {  	v29 =	vor.u32 $0x8, v14;
	v23 =	vld.idx.msk [tilespmem:v23+s2+$0x0], $0xffff  }
0x59: {  	v26 =	vor.u32 $0x5, v14;
	v18 =	vld.idx.msk [tilespmem:v18+s2+$0x0], $0xffff  }
0x5a: {  	v55 =	vor.u32 $0x9, v14;
	v19 =	vld.idx.msk [tilespmem:v19+s2+$0x0], $0xffff  }
0x5b: {  	v20 =	vld.idx.msk [tilespmem:v20+s2+$0x0], $0xffff  }
0x5c: {  	v16 =	vld.idx.msk [tilespmem:v16+s2+$0x0], $0xffff  }
0x5d: {  	v29 =	vld.idx.msk [tilespmem:v29+s2+$0x0], $0xffff  }
0x5e: {  	v26 =	vld.idx.msk [tilespmem:v26+s2+$0x0], $0xffff;
	v18 =	vtrunc.f32 v18  }
0x5f: {  	v57 =	vor.u32 $0x2, v14;
	v32 =	vld.idx.msk [tilespmem:v55+s2+$0x0], $0xffff;
	v18 =	vcvt.f32.s32 v18  }
0x60: {  	v56 =	vor.u32 $0x1, v14  }
0x61: {  	v23 =	vmul.f32 v23, v19;
	v20 =	vmul.f32 v20, v16;
	v58 =	vshll.u32 v18, $0x2  }
0x62: {  	v59 =	vor.u32 $0x1, v58  }
0x63: {  	v14 =	vld.idx.msk [tilespmem:v14+s2+$0x0], $0xffff;
	v20 =	vadd.f32 v23, v20;
	v60 =	vor.u32 $0x2, v58;
	v23 =	vmul.f32 v29, v26  }
0x64: {  	v35 =	vld.idx.msk [tilespmem:v57+s2+$0x0], $0xffff;
	v61 =	vmul.f32 v32, v16;
	v62 =	vor.u32 $0x3, v58  }
0x65: {  	v40 =	vmul.f32 $5.000000000e-01, v32;
	v29 =	vld.idx.msk [tilespmem:v56+s2+$0x0], $0xffff;
	v20 =	vadd.f32 v23, v20;
	v23 =	vmul.f32 v32, v19  }
0x66: {  	v63 =	vmul.f32 v32, v26;
	[tilespmem:v58+s13+$0x0] =	vst.idx.add.f32.msk $0xffff, v61  }
0x67: {  	v20 =	vmul.f32 v20, v40;
	[tilespmem:v59+s13+$0x0] =	vst.idx.add.f32.msk $0xffff, v23  }
0x68: {  	[tilespmem:v60+s13+$0x0] =	vst.idx.add.f32.msk $0xffff, v63  }
0x69: {  	[tilespmem:v62+s13+$0x0] =	vst.idx.add.f32.msk $0xffff, v20  }
0x6a: {  	v23 =	vmul.f32 v25, v25;
	v13 =	vld.idx.msk [tilespmem:v13+s2+$0x0], $0xffff  }
0x6b: {  	v20 =	vmul.f32 v21, v21;
	v21 =	vor.u32 $0x5, v7;
	v15 =	vld.idx.msk [tilespmem:v15+s2+$0x0], $0xffff  }
0x6c: {  	vm0 =	vgt.s32 v4, v28;
	v10 =	vadd.f32 v23, v10;
	v23 =	vor.u32 $0x8, v7;
	v12 =	vld.idx.msk [tilespmem:v12+s2+$0x0], $0xffff  }
0x6d: {  	v24 =	vmul.f32 v24, v24;
	v11 =	vld.idx.msk [tilespmem:v11+s2+$0x0], $0xffff;
	v8 =	vadd.f32 v20, v8;
	v20 =	vor.u32 $0x9, v7  }
0x6e: {  	v4 =	vsel vm0, v4, v28;
	v16 =	vmul.f32 v16, v16;
	v9 =	vld.idx.msk [tilespmem:v9+s2+$0x0], $0xffff  }
0x6f: {  	v25 =	vmul.f32 v30, v30;
	v10 =	vadd.f32 v24, v10;
	v24 =	vmul.f32 v27, v27  }
0x70: {  	v3 =	vadd.f32 v31, v3;
	v19 =	vmul.f32 v19, v19;
	v27 =	vmul.f32 v33, v33;
	v21 =	vld.idx.msk [tilespmem:v21+s2+$0x0], $0xffff  }
0x71: {  	v8 =	vadd.f32 v25, v8;
	v10 =	vadd.f32 v24, v10;
	v23 =	vld.idx.msk [tilespmem:v23+s2+$0x0], $0xffff;
	v15 =	vtrunc.f32 v15  }
0x72: {  	v24 =	vor.u32 $0x1, v7;
	v25 =	vor.u32 $0x2, v7;
	v20 =	vld.idx.msk [tilespmem:v20+s2+$0x0], $0xffff;
	v15 =	vcvt.f32.s32 v15  }
0x73: {  	v13 =	vmul.f32 v13, v12;
	v11 =	vmul.f32 v11, v9;
	v10 =	vadd.f32 v16, v10  }
0x74: {  	v14 =	vmul.f32 v14, v14;
	v8 =	vadd.f32 v27, v8;
	v27 =	vshll.u32 v15, $0x2  }
0x75: {  	v11 =	vadd.f32 v13, v11;
	v10 =	vadd.f32 v19, v10;
	v16 =	vor.u32 $0x1, v27  }
0x76: {  	v7 =	vld.idx.msk [tilespmem:v7+s2+$0x0], $0xffff;
	v8 =	vadd.f32 v14, v8;
	v28 =	vor.u32 $0x2, v27;
	v13 =	vmul.f32 v23, v21  }
0x77: {  	v14 =	vmul.f32 v26, v26;
	v19 =	vld.idx.msk [tilespmem:v24+s2+$0x0], $0xffff;
	v24 =	vor.u32 $0x3, v27;
	v23 =	vmul.f32 v20, v9  }
0x78: {  	v25 =	vld.idx.msk [tilespmem:v25+s2+$0x0], $0xffff;
	v30 =	vmul.f32 $5.000000000e-01, v20;
	v31 =	vmul.f32 v20, v12;
	v11 =	vadd.f32 v13, v11  }
0x79: {  	v13 =	vmul.f32 v29, v29;
	v29 =	vmul.f32 v20, v21;
	[tilespmem:v27+s13+$0x0] =	vst.idx.add.f32.msk $0xffff, v23  }
0x7a: {  	v11 =	vmul.f32 v11, v30;
	[tilespmem:v16+s13+$0x0] =	vst.idx.add.f32.msk $0xffff, v31  }
0x7b: {  	v10 =	vadd.f32 v14, v10;
	v9 =	vmul.f32 v9, v9;
	[tilespmem:v28+s13+$0x0] =	vst.idx.add.f32.msk $0xffff, v29  }
0x7c: {  	v23 =	vor.u32 $0x4, v6;
	v8 =	vadd.f32 v13, v8;
	v16 =	vmul.f32 v35, v35;
	[tilespmem:v24+s13+$0x0] =	vst.idx.add.f32.msk $0xffff, v11  }
0x7d: {  	v14 =	vor.u32 $0x8, v6;
	v12 =	vmul.f32 v12, v12;
	v9 =	vadd.f32 v9, v10;
	v13 =	vld.idx.msk [tilespmem:v22+s2+$0x0], $0xffff  }
0x7e: {  	vm0 =	vgt.s32 v4, v18;
	v7 =	vmul.f32 v7, v7;
	v8 =	vadd.f32 v16, v8;
	v5 =	vld.idx.msk [tilespmem:v5+s2+$0x0], $0xffff  }
0x7f: {  	v4 =	vsel vm0, v4, v18;
	v9 =	vadd.f32 v12, v9;
	v11 =	vor.u32 $0x5, v6;
	v17 =	vld.idx.msk [tilespmem:v17+s2+$0x0], $0xffff  }
0x80: {  	v12 =	vmul.f32 v19, v19;
	v16 =	vor.u32 $0x9, v6;
	v2 =	vld.idx.msk [tilespmem:v2+s2+$0x0], $0xffff;
	v7 =	vadd.f32 v7, v8  }
0x81: {  	v3 =	vadd.f32 v32, v3;
	vm0 =	vgt.s32 v4, v15;
	v10 =	vld.idx.msk [tilespmem:v23+s2+$0x0], $0xffff  }
0x82: {  	v4 =	vsel vm0, v4, v15;
	v15 =	vor.u32 $0x1, v6;
	v7 =	vadd.f32 v12, v7;
	v12 =	vld.idx.msk [tilespmem:v14+s2+$0x0], $0xffff  }
0x83: {  	v8 =	vmul.f32 v21, v21;
	v14 =	vadd.f32 v20, v3;
	v3 =	vor.u32 $0x2, v6;
	v6 =	vld.idx.msk [tilespmem:v6+s2+$0x0], $0xffff  }
0x84: {  	v18 =	vmul.f32 v25, v25;
	v11 =	vld.idx.msk [tilespmem:v11+s2+$0x0], $0xffff  }
0x85: {  	v8 =	vadd.f32 v8, v9;
	v16 =	vld.idx.msk [tilespmem:v16+s2+$0x0], $0xffff;
	v5 =	vtrunc.f32 v5  }
0x86: {  	v7 =	vadd.f32 v18, v7;
	v18 =	vmul.f32 v2, v2;
	v5 =	vcvt.f32.s32 v5  }
0x87: {  	v17 =	vmul.f32 v17, v2;
	v9 =	vmul.f32 v13, v10  }
0x88: {  	v15 =	vld.idx.msk [tilespmem:v15+s2+$0x0], $0xffff;
	v13 =	vmul.f32 v10, v10;
	v8 =	vadd.f32 v18, v8;
	v19 =	vshll.u32 v5, $0x2  }
0x89: {  	vm0 =	vgt.s32 v4, v5;
	v9 =	vadd.f32 v9, v17;
	v6 =	vmul.f32 v6, v6  }
0x8a: {  	v20 =	vor.u32 $0x1, v19;
	v12 =	vmul.f32 v12, v11;
	v2 =	vmul.f32 v16, v2  }
0x8b: {  	v17 =	vld.idx.msk [tilespmem:v3+s2+$0x0], $0xffff;
	v21 =	vor.u32 $0x2, v19;
	v3 =	vmul.f32 $5.000000000e-01, v16;
	v10 =	vmul.f32 v16, v10  }
0x8c: {  	v8 =	vadd.f32 v13, v8;
	v6 =	vadd.f32 v6, v7;
	v7 =	vmul.f32 v11, v11  }
0x8d: {  	s31 =	simm.s32 $0x30;
	v18 =	vor.u32 $0x3, v19;
	v9 =	vadd.f32 v12, v9;
	[tilespmem:v19+s13+$0x0] =	vst.idx.add.f32.msk $0xffff, v2;
	v2 =	vmul.f32 v15, v15  }
0x8e: {  	s22 =	sshll.u32 s21, $0x1;
	p0 =	seq.s32 s21, $0x7C;
	s24 =	simm.s32 $0x0;
	v22 =	vmul.f32 v16, v11;
	v12 =	vmov s31;
	v11 =	vadd.f32 v7, v8  }
0x8f: {  	s23 =	sadd.s32 @!p0 s22, s6;
	v9 =	vmul.f32 v9, v3;
	v2 =	vadd.f32 v2, v6;
	v6 =	vmov s24  }
0x90: {  	s30 =	simm.s32 $0x20;
	s23 =	smul.u32 @!p0 $0x1900, s23;
	v3 =	vsel vm0, v4, v5;
	v5 =	vmul.f32 v17, v17;
	[tilespmem:v20+s13+$0x0] =	vst.idx.add.f32.msk $0xffff, v10;
	v6 =	vshll.u32 v6, $0x7  }
0x91: {  	v7 =	vmov s30;
	v4 =	vadd.f32 v16, v14;
	[tilespmem:v21+s13+$0x0] =	vst.idx.add.f32.msk $0xffff, v22;
	v21 =	vor.u32 v1, v6  }
0x92: {  	s29 =	simm.s32 $0x10;
	s23 =	sadd.s32 @!p0 s3, s23;
	v7 =	vshll.u32 v7, $0x7;
	s24 =	simm.s32 @!p0 $0x0;
	[tilespmem:v18+s13+$0x0] =	vst.idx.add.f32.msk $0xffff, v9;
	v9 =	vadd.f32 v5, v2;
	v5 =	vor.u32 $0x7, v21  }
0x93: {  	v7 =	vor.u32 v1, v7;
	v2 =	vmov s29;
	[tilespmem:s24], [sflag:$0x1] =	stream.linear.gather @!p0 [hbm4b:s23+s24], $0xC800, $0x38;
	v6 =	vor.u32 $0xA, v21;
	[tilespmem:$0x1A080] =	vst v63  }
0x94: {  	v8 =	vor.u32 $0x3, v7;
	v2 =	vshll.u32 v2, $0x7;
	v17 =	vor.u32 $0x6, v21;
	_ =	swait.ge [sflag:s14], $0xC800  }
0x95: {  	v15 =	vor.u32 $0xA, v7;
	v13 =	vor.u32 v1, v2;
	v2 =	vor.u32 $0x4, v21;
	[sflag:s14] =	ssyncset.done $0x0  }
0x96: {  	v10 =	vor.u32 $0x6, v7;
	v14 =	vor.u32 $0x7, v7;
	v25 =	vor.u32 $0x3, v21;
	[sflag:s14] =	ssyncadd.s32 $0xFFFF3800  }
0x97: {  	v27 =	vor.u32 $0x5, v21;
	v30 =	vor.u32 $0x8, v21;
	v31 =	vor.u32 $0x9, v21;
	v26 =	vld.idx.msk [tilespmem:v5+s11+$0x0], $0xffff  }
0x98: {  	v16 =	vor.u32 $0x3, v13;
	v18 =	vor.u32 $0xA, v13;
	v5 =	vshll.u32 v12, $0x7;
	v28 =	vld.idx.msk [tilespmem:v6+s11+$0x0], $0xffff  }
0x99: {  	v20 =	vor.u32 $0x6, v13;
	v22 =	vor.u32 $0x7, v13;
	v29 =	vld.idx.msk [tilespmem:v17+s11+$0x0], $0xffff;
	v6 =	vor.u32 v1, v5  }
0x9a: {  	v19 =	vor.u32 $0x4, v13;
	v12 =	vor.u32 $0x4, v7;
	v24 =	vld.idx.msk [tilespmem:v2+s11+$0x0], $0xffff;
	v2 =	vor.u32 $0x3, v6  }
0x9b: {  	s23 =	simm.s32 $0x40;
	v25 =	vld.idx.msk [tilespmem:v25+s11+$0x0], $0xffff;
	v5 =	vor.u32 $0xA, v6;
	v17 =	vor.u32 $0x6, v6;
	v23 =	vor.u32 $0x7, v6  }
.LBB2_7:
0x9c: {  	p1 =	sne.s32 s23, $0x180;
	v27 =	vld.idx.msk [tilespmem:v27+s11+$0x0], $0xffff;
	v32 =	vmov v17;
	v17 =	vmov v14;
	v14 =	vmov v23;
	s24 =	smov.u32 s23;
	s23 =	sadd.s32 $0x10, s23  }
0x9d: {  	v23 =	vor.u32 $0x4, v6;
	v33 =	vor.u32 $0x1, v21;
	v30 =	vld.idx.msk [tilespmem:v30+s11+$0x0], $0xffff  }
0x9e: {  	v28 =	vtrunc.f32 v28;
	v31 =	vld.idx.msk [tilespmem:v31+s11+$0x0], $0xffff  }
0x9f: {  	v34 =	vor.u32 $0x2, v21;
	v28 =	vcvt.f32.s32 v28;
	v26 =	vmul.f32 v26, v24  }
0xa0: {  	v36 =	vmul.f32 v24, v24;
	v35 =	vld.idx.msk [tilespmem:v21+s11+$0x0], $0xffff;
	v21 =	vmovc v13;
	v13 =	vmov v7;
	v7 =	vmov v6  }
0xa1: {  	v6 =	vmul.f32 v25, v25;
	v37 =	vshll.u32 v28, $0x2;
	v29 =	vmul.f32 v29, v25  }
0xa2: {  	vm0 =	vgt.s32 v3, v28;
	v38 =	vor.u32 $0x1, v37;
	v39 =	vor.u32 $0x2, v37;
	v33 =	vld.idx.msk [tilespmem:v33+s11+$0x0], $0xffff  }
0xa3: {  	v6 =	vadd.f32 v6, v11;
	v11 =	vadd.f32 v26, v29;
	v26 =	vmul.f32 v30, v27  }
0xa4: {  	v25 =	vmul.f32 v31, v25;
	v30 =	vmul.f32 $5.000000000e-01, v31;
	v29 =	vld.idx.msk [tilespmem:v34+s11+$0x0], $0xffff;
	v34 =	vor.u32 $0x3, v37  }
0xa5: {  	v24 =	vmul.f32 v31, v24;
	v40 =	vmul.f32 v31, v27;
	v11 =	vadd.f32 v26, v11  }
0xa6: {  	v6 =	vadd.f32 v36, v6;
	v26 =	vmul.f32 v35, v35;
	[tilespmem:v37+s13+$0x0] =	vst.idx.add.f32.msk $0xffff, v25  }
0xa7: {  	v25 =	vmul.f32 v27, v27;
	v11 =	vmul.f32 v11, v30;
	[tilespmem:v38+s13+$0x0] =	vst.idx.add.f32.msk $0xffff, v24  }
0xa8: {  	v3 =	vsel vm0, v3, v28;
	v27 =	vor.u32 $0x5, v21;
	v24 =	vmul.f32 v33, v33;
	[tilespmem:v39+s13+$0x0] =	vst.idx.add.f32.msk $0xffff, v40  }
0xa9: {  	v28 =	vmov s24;
	v4 =	vadd.f32 v31, v4;
	v9 =	vadd.f32 v26, v9;
	[tilespmem:v34+s13+$0x0] =	vst.idx.add.f32.msk $0xffff, v11  }
.Ltmp4:
0xaa: {  	v28 =	vshll.u32 v28, $0x7;
	v33 =	vmul.f32 v29, v29;
	v11 =	vadd.f32 v25, v6;
	v26 =	vld.idx.msk [tilespmem:v22+s11+$0x0], $0xffff;
	v22 =	vmovc v17;
	(pc) =	sbr.rel @p1 .LBB2_7-.Ltmp4, $4  }
0xab: {  	v30 =	vor.u32 $0x8, v21;
	v6 =	vor.u32 v1, v28;
	v9 =	vadd.f32 v24, v9;
	v28 =	vld.idx.msk [tilespmem:v18+s11+$0x0], $0xffff;
	v18 =	vmovc v15  }
0xac: {  	v31 =	vor.u32 $0x9, v21;
	v34 =	vor.u32 $0x3, v6;
	v25 =	vor.u32 $0xA, v6;
	v24 =	vld.idx.msk [tilespmem:v19+s11+$0x0], $0xffff;
	v19 =	vmovc v12;
	v12 =	vmovc v23  }
0xad: {  	v17 =	vor.u32 $0x6, v6;
	v9 =	vadd.f32 v33, v9;
	v15 =	vmovc v5;
	v5 =	vmovc v25;
	v23 =	vor.u32 $0x7, v6;
	v29 =	vld.idx.msk [tilespmem:v20+s11+$0x0], $0xffff  }
0xae: {  	v20 =	vmovc v10;
	v10 =	vmovc v32;
	v25 =	vld.idx.msk [tilespmem:v16+s11+$0x0], $0xffff;
	v16 =	vmov v8;
	v8 =	vmov v2;
	v2 =	vmov v34  }
0xaf: {  	_ =	sdelay $0x3  }
0xb0: {  	v27 =	vld.idx.msk [tilespmem:v27+s11+$0x0], $0xffff  }
0xb1: {  	v30 =	vld.idx.msk [tilespmem:v30+s11+$0x0], $0xffff;
	v28 =	vtrunc.f32 v28  }
0xb2: {  	v32 =	vor.u32 $0x1, v21;
	v31 =	vld.idx.msk [tilespmem:v31+s11+$0x0], $0xffff;
	v28 =	vcvt.f32.s32 v28  }
0xb3: {  	v33 =	vor.u32 $0x2, v21  }
0xb4: {  	v26 =	vmul.f32 v26, v24;
	v34 =	vshll.u32 v28, $0x2;
	v29 =	vmul.f32 v29, v25  }
0xb5: {  	v35 =	vor.u32 $0x1, v34  }
0xb6: {  	v21 =	vld.idx.msk [tilespmem:v21+s11+$0x0], $0xffff;
	v36 =	vor.u32 $0x2, v34;
	v52 =	vmul.f32 v30, v27;
	v26 =	vadd.f32 v26, v29  }
0xb7: {  	v30 =	vld.idx.msk [tilespmem:v32+s11+$0x0], $0xffff;
	v53 =	vmul.f32 v31, v25;
	v37 =	vor.u32 $0x3, v34  }
0xb8: {  	v33 =	vld.idx.msk [tilespmem:v33+s11+$0x0], $0xffff;
	v38 =	vmul.f32 $5.000000000e-01, v31;
	v39 =	vmul.f32 v31, v24;
	v26 =	vadd.f32 v52, v26  }
0xb9: {  	v54 =	vmul.f32 v31, v27;
	[tilespmem:v34+s13+$0x0] =	vst.idx.add.f32.msk $0xffff, v53  }
0xba: {  	[tilespmem:v35+s13+$0x0] =	vst.idx.add.f32.msk $0xffff, v39;
	v26 =	vmul.f32 v26, v38  }
0xbb: {  	[tilespmem:v36+s13+$0x0] =	vst.idx.add.f32.msk $0xffff, v54  }
0xbc: {  	[tilespmem:v37+s13+$0x0] =	vst.idx.add.f32.msk $0xffff, v26  }
0xbd: {  	v55 =	vor.u32 $0x5, v13;
	v22 =	vld.idx.msk [tilespmem:v22+s11+$0x0], $0xffff  }
0xbe: {  	v56 =	vor.u32 $0x8, v13;
	v18 =	vld.idx.msk [tilespmem:v18+s11+$0x0], $0xffff  }
0xbf: {  	v57 =	vor.u32 $0x9, v13;
	v19 =	vld.idx.msk [tilespmem:v19+s11+$0x0], $0xffff  }
0xc0: {  	v20 =	vld.idx.msk [tilespmem:v20+s11+$0x0], $0xffff  }
0xc1: {  	v16 =	vld.idx.msk [tilespmem:v16+s11+$0x0], $0xffff  }
0xc2: {  	v26 =	vld.idx.msk [tilespmem:v55+s11+$0x0], $0xffff  }
0xc3: {  	v29 =	vld.idx.msk [tilespmem:v56+s11+$0x0], $0xffff;
	v18 =	vtrunc.f32 v18  }
0xc4: {  	v58 =	vor.u32 $0x1, v13;
	v32 =	vld.idx.msk [tilespmem:v57+s11+$0x0], $0xffff;
	v18 =	vcvt.f32.s32 v18  }
0xc5: {  	v59 =	vor.u32 $0x2, v13  }
0xc6: {  	v22 =	vmul.f32 v22, v19;
	v20 =	vmul.f32 v20, v16;
	v60 =	vshll.u32 v18, $0x2  }
0xc7: {  	v61 =	vor.u32 $0x1, v60  }
0xc8: {  	v13 =	vld.idx.msk [tilespmem:v13+s11+$0x0], $0xffff;
	v63 =	vmul.f32 v29, v26;
	v20 =	vadd.f32 v22, v20;
	v62 =	vor.u32 $0x2, v60  }
0xc9: {  	v44 =	vld.idx.msk [tilespmem:v58+s11+$0x0], $0xffff;
	v45 =	vmul.f32 v32, v16;
	v46 =	vor.u32 $0x3, v60  }
0xca: {  	v35 =	vld.idx.msk [tilespmem:v59+s11+$0x0], $0xffff;
	v40 =	vmul.f32 $5.000000000e-01, v32;
	v47 =	vmul.f32 v32, v19;
	v20 =	vadd.f32 v63, v20  }
0xcb: {  	v48 =	vmul.f32 v32, v26;
	[tilespmem:v60+s13+$0x0] =	vst.idx.add.f32.msk $0xffff, v45  }
0xcc: {  	v20 =	vmul.f32 v20, v40;
	[tilespmem:v61+s13+$0x0] =	vst.idx.add.f32.msk $0xffff, v47  }
0xcd: {  	[tilespmem:v62+s13+$0x0] =	vst.idx.add.f32.msk $0xffff, v48  }
0xce: {  	[tilespmem:v46+s13+$0x0] =	vst.idx.add.f32.msk $0xffff, v20  }
0xcf: {  	v49 =	vor.u32 $0x5, v7;
	v14 =	vld.idx.msk [tilespmem:v14+s11+$0x0], $0xffff  }
0xd0: {  	v51 =	vor.u32 $0x8, v7;
	v15 =	vld.idx.msk [tilespmem:v15+s11+$0x0], $0xffff  }
0xd1: {  	v50 =	vmul.f32 v25, v25;
	v52 =	vor.u32 $0x9, v7;
	v12 =	vld.idx.msk [tilespmem:v12+s11+$0x0], $0xffff  }
0xd2: {  	v21 =	vmul.f32 v21, v21;
	v10 =	vld.idx.msk [tilespmem:v10+s11+$0x0], $0xffff  }
0xd3: {  	vm0 =	vgt.s32 v3, v28;
	v11 =	vadd.f32 v50, v11;
	v53 =	vmul.f32 v24, v24;
	v8 =	vld.idx.msk [tilespmem:v8+s11+$0x0], $0xffff  }
0xd4: {  	v3 =	vsel vm0, v3, v28;
	v9 =	vadd.f32 v21, v9;
	v54 =	vmul.f32 v30, v30;
	v20 =	vld.idx.msk [tilespmem:v49+s11+$0x0], $0xffff  }
0xd5: {  	v11 =	vadd.f32 v53, v11;
	v55 =	vmul.f32 v27, v27;
	v57 =	vld.idx.msk [tilespmem:v51+s11+$0x0], $0xffff;
	v15 =	vtrunc.f32 v15  }
0xd6: {  	v56 =	vmul.f32 v33, v33;
	v58 =	vor.u32 $0x1, v7;
	v59 =	vld.idx.msk [tilespmem:v52+s11+$0x0], $0xffff;
	v15 =	vcvt.f32.s32 v15  }
0xd7: {  	v9 =	vadd.f32 v54, v9;
	v11 =	vadd.f32 v55, v11;
	v60 =	vor.u32 $0x2, v7  }
0xd8: {  	v14 =	vmul.f32 v14, v12;
	v10 =	vmul.f32 v10, v8;
	v61 =	vshll.u32 v15, $0x2  }
0xd9: {  	v9 =	vadd.f32 v56, v9;
	v19 =	vmul.f32 v19, v19;
	v62 =	vor.u32 $0x1, v61  }
0xda: {  	v7 =	vld.idx.msk [tilespmem:v7+s11+$0x0], $0xffff;
	v36 =	vmul.f32 v57, v20;
	v10 =	vadd.f32 v14, v10;
	v63 =	vor.u32 $0x2, v61  }
0xdb: {  	v16 =	vmul.f32 v16, v16;
	v37 =	vld.idx.msk [tilespmem:v58+s11+$0x0], $0xffff;
	v38 =	vmul.f32 v59, v8;
	v39 =	vor.u32 $0x3, v61  }
0xdc: {  	v21 =	vld.idx.msk [tilespmem:v60+s11+$0x0], $0xffff;
	v40 =	vmul.f32 $5.000000000e-01, v59;
	v34 =	vmul.f32 v59, v12;
	v10 =	vadd.f32 v36, v10  }
0xdd: {  	v11 =	vadd.f32 v16, v11;
	v41 =	vmul.f32 v59, v20;
	[tilespmem:v61+s13+$0x0] =	vst.idx.add.f32.msk $0xffff, v38  }
0xde: {  	v13 =	vmul.f32 v13, v13;
	v10 =	vmul.f32 v10, v40;
	[tilespmem:v62+s13+$0x0] =	vst.idx.add.f32.msk $0xffff, v34  }
0xdf: {  	v43 =	vmul.f32 v26, v26;
	v11 =	vadd.f32 v19, v11;
	[tilespmem:v63+s13+$0x0] =	vst.idx.add.f32.msk $0xffff, v41  }
0xe0: {  	v42 =	vor.u32 $0x4, v6;
	v44 =	vmul.f32 v44, v44;
	v9 =	vadd.f32 v13, v9;
	[tilespmem:v39+s13+$0x0] =	vst.idx.add.f32.msk $0xffff, v10  }
0xe1: {  	v4 =	vadd.f32 v31, v4;
	v10 =	vadd.f32 v43, v11;
	v11 =	vor.u32 $0x5, v6;
	v45 =	vld.idx.msk [tilespmem:v23+s11+$0x0], $0xffff  }
0xe2: {  	v9 =	vadd.f32 v44, v9;
	v48 =	vor.u32 $0x9, v6;
	v46 =	vmul.f32 v35, v35;
	v5 =	vld.idx.msk [tilespmem:v5+s11+$0x0], $0xffff  }
0xe3: {  	v53 =	vor.u32 $0x2, v6;
	v47 =	vor.u32 $0x8, v6;
	v8 =	vmul.f32 v8, v8;
	v17 =	vld.idx.msk [tilespmem:v17+s11+$0x0], $0xffff  }
0xe4: {  	vm0 =	vgt.s32 v3, v18;
	v9 =	vadd.f32 v46, v9;
	v7 =	vmul.f32 v7, v7;
	v2 =	vld.idx.msk [tilespmem:v2+s11+$0x0], $0xffff  }
0xe5: {  	v4 =	vadd.f32 v32, v4;
	v3 =	vsel vm0, v3, v18;
	v8 =	vadd.f32 v8, v10;
	v10 =	vld.idx.msk [tilespmem:v42+s11+$0x0], $0xffff  }
0xe6: {  	v12 =	vmul.f32 v12, v12;
	v7 =	vadd.f32 v7, v9;
	v9 =	vld.idx.msk [tilespmem:v11+s11+$0x0], $0xffff;
	v11 =	vor.u32 $0x1, v6  }
0xe7: {  	v49 =	vmul.f32 v37, v37;
	v50 =	vmul.f32 v20, v20;
	v54 =	vadd.f32 v59, v4;
	v52 =	vld.idx.msk [tilespmem:v48+s11+$0x0], $0xffff  }
0xe8: {  	vm0 =	vgt.s32 v3, v15;
	v14 =	vld.idx.msk [tilespmem:v47+s11+$0x0], $0xffff;
	v8 =	vadd.f32 v12, v8;
	v5 =	vtrunc.f32 v5  }
0xe9: {  	v51 =	vmul.f32 v21, v21;
	v3 =	vsel vm0, v3, v15;
	v6 =	vld.idx.msk [tilespmem:v6+s11+$0x0], $0xffff;
	v5 =	vcvt.f32.s32 v5  }
0xea: {  	v7 =	vadd.f32 v49, v7;
	v4 =	vadd.f32 v50, v8;
	v56 =	vmul.f32 v2, v2  }
0xeb: {  	v17 =	vmul.f32 v17, v2;
	v8 =	vmul.f32 v45, v10;
	v57 =	vshll.u32 v5, $0x2;
	v11 =	vld.idx.msk [tilespmem:v11+s11+$0x0], $0xffff  }
0xec: {  	v7 =	vadd.f32 v51, v7;
	v2 =	vmul.f32 v52, v2;
	v63 =	vmul.f32 $5.000000000e-01, v52  }
0xed: {  	v60 =	vld.idx.msk [tilespmem:v53+s11+$0x0], $0xffff;
	v8 =	vadd.f32 v8, v17;
	v58 =	vor.u32 $0x1, v57;
	v14 =	vmul.f32 v14, v9  }
0xee: {  	v55 =	vmul.f32 v10, v10;
	v59 =	vor.u32 $0x2, v57;
	v6 =	vmul.f32 v6, v6  }
0xef: {  	v10 =	vmul.f32 v52, v10;
	v61 =	vor.u32 $0x3, v57;
	v8 =	vadd.f32 v14, v8  }
0xf0: {  	v6 =	vadd.f32 v6, v7;
	[tilespmem:v57+s13+$0x0] =	vst.idx.add.f32.msk $0xffff, v2;
	v2 =	vmul.f32 v11, v11  }
.Ltmp5:
0xf1: {  	v4 =	vadd.f32 v56, v4;
	v62 =	vmul.f32 v52, v9;
	v8 =	vmul.f32 v8, v63;
	(pc) =	sbr.rel @p0 .LBB2_10-.Ltmp5, $4  }
0xf2: {  	[tilespmem:v58+s13+$0x0] =	vst.idx.add.f32.msk $0xffff, v10;
	v11 =	vmul.f32 v60, v60;
	v2 =	vadd.f32 v2, v6  }
0xf3: {  	v9 =	vmul.f32 v9, v9;
	v7 =	vadd.f32 v55, v4;
	[tilespmem:v59+s13+$0x0] =	vst.idx.add.f32.msk $0xffff, v62  }
0xf4: {  	vm0 =	vgt.s32 v3, v5;
	[tilespmem:v61+s13+$0x0] =	vst.idx.add.f32.msk $0xffff, v8;
	v8 =	vadd.f32 v11, v2  }
0xf5: {  	v4 =	vsel vm0, v3, v5;
	v3 =	vadd.f32 v52, v54;
	v10 =	vadd.f32 v9, v7  }
.Ltmp6:
0xf6: {  	s22 =	sadd.s32 s22, s7;
	(pc) =	sbr.rel .LBB2_4-.Ltmp6, $3  }
0xf7: {  	s22 =	smul.u32 $0x1900, s22;
	_ =	sdelay $0x1  }
0xf8: {  	s21 =	sadd.s32 $0x1, s21;
	s22 =	sadd.s32 s3, s22  }
0xf9: {  	[tilespmem:s11], [sflag:$0x2] =	stream.linear.gather [hbm4b:s22+s2], $0xC800, $0x38;
	[tilespmem:$0x1A080] =	vst v63  }
.LBB2_11:
0xfa: {  	_ =	sfence.sel $0x180000  }
0xfb: {  	[bflag:$0x0] =	sbarrier.arrive $0xFFFF  }
0xfc: {  	p0 =	sne.s32 s1, $0x0;
	_ =	strace $0x9000004A  }
0xfd: {  	s0 =	sadd.s32 @!p0 $0x100000, s0;
	[bflag:$0x2] =	sbarrier.arrive $0xFFFF  }
0xfe: {  	[sflag:s0] =	ssyncadd.tile.s32 @!p0 $0x1;
	_ =	shalt  }
.Lfunc_end2:
_tile_overlayer_lowered:
.L_overlay_start_2:
0xff: {  	(tag) =	ssettag $0x2  }
0x100: {  	s0 =	rddreg [dreg:$0x0];
	s2 =	stileid.u32  }
0x101: {  	s1 =	rddreg [dreg:$0x1];
	p0 =	sne.s32 s2, $0x0  }
0x102: {  	s3 =	rddreg [dreg:$0x2];
	[bflag:$0x3] =	sbarrier.arrive $0xFFFF;
	s2 =	simm.s32 @!p0 $0x1C03  }
0x103: {  	[timem:s3], [sflag:s2] =	dma.local @!p0 [hbm:s0], s1  }
0x104: {  	s0 =	simm.s32 @!p0 $0x3  }
0x105: {  	_ =	swait.ge @!p0 [sflag:s0], s1  }
0x106: {  	s1 =	ssub.s32 @!p0 $0x0, s1;
	[sflag:s0] =	ssyncset.done @!p0 $0x0  }
0x107: {  	[sflag:s0] =	ssyncadd.s32 @!p0 s1  }
0x108: {  	[bflag:$0x3] =	sbarrier.arrive $0xFFFF  }
0x109: {  	_ =	shalt  }

</sc_bundles>
